<compile_context>
chip_gen: v7x
topology: tpu7x:2x2x1
jax: 0.10.2.dev20260603
libtpu: 0.0.44.dev20260713+nightly
codegen_flags: <defaults>
</compile_context>

<pallas_src>
import functools

import jax
import jax.numpy as jnp
from jax import lax
from jax.experimental import pallas as pl
from jax.experimental.pallas import tpu as pltpu
from jax.experimental.pallas import tpu_sc as plsc

B0, B1 = 4096, 200
D = 64
NW = 32
BW = B0 // NW
TCH = 4
NCHUNK = B1 // TCH
NPAIR = NCHUNK // 2

_mesh = plsc.VectorSubcoreMesh(core_axis_name="c", subcore_axis_name="s")


@functools.partial(
    pl.kernel,
    mesh=_mesh,
    out_type=jax.ShapeDtypeStruct((B1, B0, D), jnp.float32),
    scratch_types=[
        pltpu.VMEM((B1, BW), jnp.int32),
        pltpu.VMEM((2, TCH, BW, D), jnp.float32),
        pltpu.SemaphoreType.DMA,
        pltpu.SemaphoreType.DMA,
        pltpu.SemaphoreType.DMA,
        pltpu.SemaphoreType.DMA,
    ],
    compiler_params=pltpu.CompilerParams(use_tc_tiling_on_sc=False),
)
def _lookup(idx_hbm, table_hbm, out_hbm, idx_v, rows_v, sg0, sg1, so0, so1):
    wid = lax.axis_index("s") * 2 + lax.axis_index("c")
    b0 = wid * BW
    pltpu.sync_copy(idx_hbm.at[:, pl.ds(b0, BW)], idx_v)

    sg = (sg0, sg1)
    so = (so0, so1)

    def start_gather(g, b):
        for i in range(TCH):
            pltpu.async_copy(
                table_hbm.at[idx_v.at[g * TCH + i]], rows_v.at[b, i], sg[b]
            )

    def wait_gather(g, b):
        for i in range(TCH):
            pltpu.make_async_copy(
                table_hbm.at[idx_v.at[g * TCH + i]], rows_v.at[b, i], sg[b]
            ).wait()

    def start_write(g, b):
        pltpu.async_copy(
            rows_v.at[b], out_hbm.at[pl.ds(g * TCH, TCH), pl.ds(b0, BW)], so[b]
        )

    def wait_write(g, b):
        pltpu.make_async_copy(
            rows_v.at[b], out_hbm.at[pl.ds(g * TCH, TCH), pl.ds(b0, BW)], so[b]
        ).wait()

    start_gather(0, 0)
    start_gather(1, 1)

    def body(p, carry):
        g = 2 * p
        wait_gather(g, 0)
        start_write(g, 0)
        wait_gather(g + 1, 1)
        start_write(g + 1, 1)
        wait_write(g, 0)
        start_gather(g + 2, 0)
        wait_write(g + 1, 1)
        start_gather(g + 3, 1)
        return carry

    lax.fori_loop(0, NPAIR - 1, body, 0)

    g = 2 * (NPAIR - 1)
    wait_gather(g, 0)
    start_write(g, 0)
    wait_gather(g + 1, 1)
    start_write(g + 1, 1)
    wait_write(g, 0)
    wait_write(g + 1, 1)


def kernel(inputs, lookup_table):
    idx_t = inputs.T
    out_t = _lookup(idx_t, lookup_table)
    return jnp.transpose(out_t, (1, 0, 2))

# --- scband reference (transcript-rebuilt; emitter-appended) ---
"""Pipeline reference for scband-embedding-lookup-53034256171181 (READ-ONLY COPY).

The authoritative reference and input builder live on the scoring server;
editing this copy changes nothing except your own understanding.
"""

import jax, jax.numpy as jnp
import numpy as np

N_TOKEN = 1000000
D_EMBED = 64

def setup_inputs(seed: int = 0) -> dict:
    key = jax.random.key(seed)
    k_idx, k_tab = jax.random.split(key)
    inputs = jax.random.randint(k_idx, (4096, 200), 0, N_TOKEN, dtype=jnp.int64 if jax.config.jax_enable_x64 else jnp.int32)
    # glorot_uniform for [N_TOKEN, D_EMBED]
    limit = np.sqrt(6.0 / (N_TOKEN + D_EMBED))
    lookup_table = jax.random.uniform(k_tab, (N_TOKEN, D_EMBED), dtype=jnp.float32, minval=-limit, maxval=limit)
    return {"inputs": inputs, "lookup_table": lookup_table}

def reference(inputs, lookup_table):
    # tf.nn.embedding_lookup(lookup_table, inputs)
    return jnp.take(lookup_table, inputs, axis=0)

if __name__ == "__main__":
    import jax
    _d = setup_inputs()
    print(jax.jit(kernel)(*tuple(_d.values())))

</pallas_src>

<mosaic_0001>
#map = affine_map<(d0, d1) -> (0, 0)>
#map1 = affine_map<(d0, d1) -> (0, 0, 0)>
module attributes {stable_mosaic.version = 14 : i64} {
  func.func @_lookup(%arg0: i32, %arg1: i32, %arg2: memref<200x4096xi32, #tpu.memory_space<hbm>>, %arg3: memref<1000000x64xf32, #tpu.memory_space<hbm>>, %arg4: memref<200x4096x64xf32, #tpu.memory_space<hbm>>, %arg5: memref<200x128xi32, #tpu.memory_space<vmem>>, %arg6: memref<2x4x128x64xf32, #tpu.memory_space<vmem>>, %arg7: memref<!tpu.dma_semaphore, #tpu.memory_space<semaphore_mem>>, %arg8: memref<!tpu.dma_semaphore, #tpu.memory_space<semaphore_mem>>, %arg9: memref<!tpu.dma_semaphore, #tpu.memory_space<semaphore_mem>>, %arg10: memref<!tpu.dma_semaphore, #tpu.memory_space<semaphore_mem>>) attributes {dimension_semantics = [#tpu.dimension_semantics<core_parallel>, #tpu.dimension_semantics<subcore_parallel>], iteration_bounds = array<i64: 2, 16>, scalar_prefetch = 0 : i64, scratch_operands = 6 : i64, tpu.core_type = #tpu.core_type<sc_vector_subcore>, window_params = [{transform_indices = #map}, {transform_indices = #map}, {transform_indices = #map1}]} {
    %mul3A = arith.constant 2 : i32
    %mul3A_0 = arith.muli %arg1, %mul3A : i32
    %add3A = arith.addi %mul3A_0, %arg0 : i32
    %mul3A_1 = arith.constant 128 : i32
    %mul3A_2 = arith.muli %add3A, %mul3A_1 : i32
    "tpu.region"() ({
      %run_scoped3A = tpu.sem_alloc : memref<!tpu.dma_semaphore, #tpu.memory_space<semaphore_mem>>
      %dma_start3A_282 = arith.constant 0 : i32
      %dma_start3A_283 = tpu.memref_slice %arg2[%dma_start3A_282, %mul3A_2] : memref<200x4096xi32, #tpu.memory_space<hbm>> -> memref<200x128xi32, #tpu.memory_space<hbm>>
      %dma_start3A_284 = arith.constant 0 : i32
      %dma_start3A_285 = tpu.memref_slice %arg2[%dma_start3A_284, %mul3A_2] : memref<200x4096xi32, #tpu.memory_space<hbm>> -> memref<200x128xi32, #tpu.memory_space<hbm>>
      tpu.enqueue_dma source(%dma_start3A_285 : memref<200x128xi32, #tpu.memory_space<hbm>>) target(%arg5 : memref<200x128xi32, #tpu.memory_space<vmem>>) target_semaphore(%run_scoped3A : memref<!tpu.dma_semaphore, #tpu.memory_space<semaphore_mem>>)
      %dma_wait3A_286 = arith.constant 0 : i32
      %dma_wait3A_287 = tpu.memref_slice %arg2[%dma_wait3A_286, %mul3A_2] : memref<200x4096xi32, #tpu.memory_space<hbm>> -> memref<200x128xi32, #tpu.memory_space<hbm>>
      %dma_wait3A_288 = arith.constant 0 : i32
      %dma_wait3A_289 = tpu.memref_slice %arg2[%dma_wait3A_288, %mul3A_2] : memref<200x4096xi32, #tpu.memory_space<hbm>> -> memref<200x128xi32, #tpu.memory_space<hbm>>
      tpu.wait_dma2 semaphore(%run_scoped3A : memref<!tpu.dma_semaphore, #tpu.memory_space<semaphore_mem>>) src(%dma_wait3A_289 : memref<200x128xi32, #tpu.memory_space<hbm>>) dst(%arg5 : memref<200x128xi32, #tpu.memory_space<vmem>>)
      tpu.yield
    }) : () -> ()
    %dma_start3A = arith.constant 0 : i32
    %dma_start3A_3 = arith.constant 0 : i32
    %dma_start3A_4 = arith.constant 0 : i32
    %dma_start3A_5 = arith.constant 0 : i32
    %dma_start3A_6 = arith.constant 0 : i32
    %dma_start3A_7 = tpu.memref_slice %arg6[%dma_start3A_3, %dma_start3A_4, %dma_start3A_5, %dma_start3A_6] : memref<2x4x128x64xf32, #tpu.memory_space<vmem>> -> memref<1x1x128x64xf32, #tpu.memory_space<vmem>>
    %dma_start3A_8 = tpu.memref_squeeze %dma_start3A_7 : memref<1x1x128x64xf32, #tpu.memory_space<vmem>> -> memref<128x64xf32, #tpu.memory_space<vmem>>
    %dma_start3A_9 = arith.constant 0 : i32
    %dma_start3A_10 = tpu.memref_slice %arg5[%dma_start3A, %dma_start3A_9] : memref<200x128xi32, #tpu.memory_space<vmem>> -> memref<1x128xi32, #tpu.memory_space<vmem>>
    %dma_start3A_11 = tpu.memref_squeeze %dma_start3A_10 : memref<1x128xi32, #tpu.memory_space<vmem>> -> memref<128xi32, #tpu.memory_space<vmem>>
    %dma_start3A_12 = arith.constant 0 : i32
    %dma_start3A_13 = arith.constant 0 : i32
    %dma_start3A_14 = tpu.memref_slice %arg3[%dma_start3A_12, %dma_start3A_13] : memref<1000000x64xf32, #tpu.memory_space<hbm>> -> memref<1000000x64xf32, #tpu.memory_space<hbm>>
    tpu.enqueue_indirect_dma source(%dma_start3A_14 : memref<1000000x64xf32, #tpu.memory_space<hbm>>) target(%dma_start3A_8 : memref<128x64xf32, #tpu.memory_space<vmem>>) offsets(%dma_start3A_11 : memref<128xi32, #tpu.memory_space<vmem>>) semaphore(%arg7 : memref<!tpu.dma_semaphore, #tpu.memory_space<semaphore_mem>>)
    %dma_start3A_15 = arith.constant 1 : i32
    %dma_start3A_16 = arith.constant 0 : i32
    %dma_start3A_17 = arith.constant 1 : i32
    %dma_start3A_18 = arith.constant 0 : i32
    %dma_start3A_19 = arith.constant 0 : i32
    %dma_start3A_20 = tpu.memref_slice %arg6[%dma_start3A_16, %dma_start3A_17, %dma_start3A_18, %dma_start3A_19] : memref<2x4x128x64xf32, #tpu.memory_space<vmem>> -> memref<1x1x128x64xf32, #tpu.memory_space<vmem>>
    %dma_start3A_21 = tpu.memref_squeeze %dma_start3A_20 : memref<1x1x128x64xf32, #tpu.memory_space<vmem>> -> memref<128x64xf32, #tpu.memory_space<vmem>>
    %dma_start3A_22 = arith.constant 0 : i32
    %dma_start3A_23 = tpu.memref_slice %arg5[%dma_start3A_15, %dma_start3A_22] : memref<200x128xi32, #tpu.memory_space<vmem>> -> memref<1x128xi32, #tpu.memory_space<vmem>>
    %dma_start3A_24 = tpu.memref_squeeze %dma_start3A_23 : memref<1x128xi32, #tpu.memory_space<vmem>> -> memref<128xi32, #tpu.memory_space<vmem>>
    %dma_start3A_25 = arith.constant 0 : i32
    %dma_start3A_26 = arith.constant 0 : i32
    %dma_start3A_27 = tpu.memref_slice %arg3[%dma_start3A_25, %dma_start3A_26] : memref<1000000x64xf32, #tpu.memory_space<hbm>> -> memref<1000000x64xf32, #tpu.memory_space<hbm>>
    tpu.enqueue_indirect_dma source(%dma_start3A_27 : memref<1000000x64xf32, #tpu.memory_space<hbm>>) target(%dma_start3A_21 : memref<128x64xf32, #tpu.memory_space<vmem>>) offsets(%dma_start3A_24 : memref<128xi32, #tpu.memory_space<vmem>>) semaphore(%arg7 : memref<!tpu.dma_semaphore, #tpu.memory_space<semaphore_mem>>)
    %dma_start3A_28 = arith.constant 2 : i32
    %dma_start3A_29 = arith.constant 0 : i32
    %dma_start3A_30 = arith.constant 2 : i32
    %dma_start3A_31 = arith.constant 0 : i32
    %dma_start3A_32 = arith.constant 0 : i32
    %dma_start3A_33 = tpu.memref_slice %arg6[%dma_start3A_29, %dma_start3A_30, %dma_start3A_31, %dma_start3A_32] : memref<2x4x128x64xf32, #tpu.memory_space<vmem>> -> memref<1x1x128x64xf32, #tpu.memory_space<vmem>>
    %dma_start3A_34 = tpu.memref_squeeze %dma_start3A_33 : memref<1x1x128x64xf32, #tpu.memory_space<vmem>> -> memref<128x64xf32, #tpu.memory_space<vmem>>
    %dma_start3A_35 = arith.constant 0 : i32
    %dma_start3A_36 = tpu.memref_slice %arg5[%dma_start3A_28, %dma_start3A_35] : memref<200x128xi32, #tpu.memory_space<vmem>> -> memref<1x128xi32, #tpu.memory_space<vmem>>
    %dma_start3A_37 = tpu.memref_squeeze %dma_start3A_36 : memref<1x128xi32, #tpu.memory_space<vmem>> -> memref<128xi32, #tpu.memory_space<vmem>>
    %dma_start3A_38 = arith.constant 0 : i32
    %dma_start3A_39 = arith.constant 0 : i32
    %dma_start3A_40 = tpu.memref_slice %arg3[%dma_start3A_38, %dma_start3A_39] : memref<1000000x64xf32, #tpu.memory_space<hbm>> -> memref<1000000x64xf32, #tpu.memory_space<hbm>>
    tpu.enqueue_indirect_dma source(%dma_start3A_40 : memref<1000000x64xf32, #tpu.memory_space<hbm>>) target(%dma_start3A_34 : memref<128x64xf32, #tpu.memory_space<vmem>>) offsets(%dma_start3A_37 : memref<128xi32, #tpu.memory_space<vmem>>) semaphore(%arg7 : memref<!tpu.dma_semaphore, #tpu.memory_space<semaphore_mem>>)
    %dma_start3A_41 = arith.constant 3 : i32
    %dma_start3A_42 = arith.constant 0 : i32
    %dma_start3A_43 = arith.constant 3 : i32
    %dma_start3A_44 = arith.constant 0 : i32
    %dma_start3A_45 = arith.constant 0 : i32
    %dma_start3A_46 = tpu.memref_slice %arg6[%dma_start3A_42, %dma_start3A_43, %dma_start3A_44, %dma_start3A_45] : memref<2x4x128x64xf32, #tpu.memory_space<vmem>> -> memref<1x1x128x64xf32, #tpu.memory_space<vmem>>
    %dma_start3A_47 = tpu.memref_squeeze %dma_start3A_46 : memref<1x1x128x64xf32, #tpu.memory_space<vmem>> -> memref<128x64xf32, #tpu.memory_space<vmem>>
    %dma_start3A_48 = arith.constant 0 : i32
    %dma_start3A_49 = tpu.memref_slice %arg5[%dma_start3A_41, %dma_start3A_48] : memref<200x128xi32, #tpu.memory_space<vmem>> -> memref<1x128xi32, #tpu.memory_space<vmem>>
    %dma_start3A_50 = tpu.memref_squeeze %dma_start3A_49 : memref<1x128xi32, #tpu.memory_space<vmem>> -> memref<128xi32, #tpu.memory_space<vmem>>
    %dma_start3A_51 = arith.constant 0 : i32
    %dma_start3A_52 = arith.constant 0 : i32
    %dma_start3A_53 = tpu.memref_slice %arg3[%dma_start3A_51, %dma_start3A_52] : memref<1000000x64xf32, #tpu.memory_space<hbm>> -> memref<1000000x64xf32, #tpu.memory_space<hbm>>
    tpu.enqueue_indirect_dma source(%dma_start3A_53 : memref<1000000x64xf32, #tpu.memory_space<hbm>>) target(%dma_start3A_47 : memref<128x64xf32, #tpu.memory_space<vmem>>) offsets(%dma_start3A_50 : memref<128xi32, #tpu.memory_space<vmem>>) semaphore(%arg7 : memref<!tpu.dma_semaphore, #tpu.memory_space<semaphore_mem>>)
    %dma_start3A_54 = arith.constant 4 : i32
    %dma_start3A_55 = arith.constant 1 : i32
    %dma_start3A_56 = arith.constant 0 : i32
    %dma_start3A_57 = arith.constant 0 : i32
    %dma_start3A_58 = arith.constant 0 : i32
    %dma_start3A_59 = tpu.memref_slice %arg6[%dma_start3A_55, %dma_start3A_56, %dma_start3A_57, %dma_start3A_58] : memref<2x4x128x64xf32, #tpu.memory_space<vmem>> -> memref<1x1x128x64xf32, #tpu.memory_space<vmem>>
    %dma_start3A_60 = tpu.memref_squeeze %dma_start3A_59 : memref<1x1x128x64xf32, #tpu.memory_space<vmem>> -> memref<128x64xf32, #tpu.memory_space<vmem>>
    %dma_start3A_61 = arith.constant 0 : i32
    %dma_start3A_62 = tpu.memref_slice %arg5[%dma_start3A_54, %dma_start3A_61] : memref<200x128xi32, #tpu.memory_space<vmem>> -> memref<1x128xi32, #tpu.memory_space<vmem>>
    %dma_start3A_63 = tpu.memref_squeeze %dma_start3A_62 : memref<1x128xi32, #tpu.memory_space<vmem>> -> memref<128xi32, #tpu.memory_space<vmem>>
    %dma_start3A_64 = arith.constant 0 : i32
    %dma_start3A_65 = arith.constant 0 : i32
    %dma_start3A_66 = tpu.memref_slice %arg3[%dma_start3A_64, %dma_start3A_65] : memref<1000000x64xf32, #tpu.memory_space<hbm>> -> memref<1000000x64xf32, #tpu.memory_space<hbm>>
    tpu.enqueue_indirect_dma source(%dma_start3A_66 : memref<1000000x64xf32, #tpu.memory_space<hbm>>) target(%dma_start3A_60 : memref<128x64xf32, #tpu.memory_space<vmem>>) offsets(%dma_start3A_63 : memref<128xi32, #tpu.memory_space<vmem>>) semaphore(%arg8 : memref<!tpu.dma_semaphore, #tpu.memory_space<semaphore_mem>>)
    %dma_start3A_67 = arith.constant 5 : i32
    %dma_start3A_68 = arith.constant 1 : i32
    %dma_start3A_69 = arith.constant 1 : i32
    %dma_start3A_70 = arith.constant 0 : i32
    %dma_start3A_71 = arith.constant 0 : i32
    %dma_start3A_72 = tpu.memref_slice %arg6[%dma_start3A_68, %dma_start3A_69, %dma_start3A_70, %dma_start3A_71] : memref<2x4x128x64xf32, #tpu.memory_space<vmem>> -> memref<1x1x128x64xf32, #tpu.memory_space<vmem>>
    %dma_start3A_73 = tpu.memref_squeeze %dma_start3A_72 : memref<1x1x128x64xf32, #tpu.memory_space<vmem>> -> memref<128x64xf32, #tpu.memory_space<vmem>>
    %dma_start3A_74 = arith.constant 0 : i32
    %dma_start3A_75 = tpu.memref_slice %arg5[%dma_start3A_67, %dma_start3A_74] : memref<200x128xi32, #tpu.memory_space<vmem>> -> memref<1x128xi32, #tpu.memory_space<vmem>>
    %dma_start3A_76 = tpu.memref_squeeze %dma_start3A_75 : memref<1x128xi32, #tpu.memory_space<vmem>> -> memref<128xi32, #tpu.memory_space<vmem>>
    %dma_start3A_77 = arith.constant 0 : i32
    %dma_start3A_78 = arith.constant 0 : i32
    %dma_start3A_79 = tpu.memref_slice %arg3[%dma_start3A_77, %dma_start3A_78] : memref<1000000x64xf32, #tpu.memory_space<hbm>> -> memref<1000000x64xf32, #tpu.memory_space<hbm>>
    tpu.enqueue_indirect_dma source(%dma_start3A_79 : memref<1000000x64xf32, #tpu.memory_space<hbm>>) target(%dma_start3A_73 : memref<128x64xf32, #tpu.memory_space<vmem>>) offsets(%dma_start3A_76 : memref<128xi32, #tpu.memory_space<vmem>>) semaphore(%arg8 : memref<!tpu.dma_semaphore, #tpu.memory_space<semaphore_mem>>)
    %dma_start3A_80 = arith.constant 6 : i32
    %dma_start3A_81 = arith.constant 1 : i32
    %dma_start3A_82 = arith.constant 2 : i32
    %dma_start3A_83 = arith.constant 0 : i32
    %dma_start3A_84 = arith.constant 0 : i32
    %dma_start3A_85 = tpu.memref_slice %arg6[%dma_start3A_81, %dma_start3A_82, %dma_start3A_83, %dma_start3A_84] : memref<2x4x128x64xf32, #tpu.memory_space<vmem>> -> memref<1x1x128x64xf32, #tpu.memory_space<vmem>>
    %dma_start3A_86 = tpu.memref_squeeze %dma_start3A_85 : memref<1x1x128x64xf32, #tpu.memory_space<vmem>> -> memref<128x64xf32, #tpu.memory_space<vmem>>
    %dma_start3A_87 = arith.constant 0 : i32
    %dma_start3A_88 = tpu.memref_slice %arg5[%dma_start3A_80, %dma_start3A_87] : memref<200x128xi32, #tpu.memory_space<vmem>> -> memref<1x128xi32, #tpu.memory_space<vmem>>
    %dma_start3A_89 = tpu.memref_squeeze %dma_start3A_88 : memref<1x128xi32, #tpu.memory_space<vmem>> -> memref<128xi32, #tpu.memory_space<vmem>>
    %dma_start3A_90 = arith.constant 0 : i32
    %dma_start3A_91 = arith.constant 0 : i32
    %dma_start3A_92 = tpu.memref_slice %arg3[%dma_start3A_90, %dma_start3A_91] : memref<1000000x64xf32, #tpu.memory_space<hbm>> -> memref<1000000x64xf32, #tpu.memory_space<hbm>>
    tpu.enqueue_indirect_dma source(%dma_start3A_92 : memref<1000000x64xf32, #tpu.memory_space<hbm>>) target(%dma_start3A_86 : memref<128x64xf32, #tpu.memory_space<vmem>>) offsets(%dma_start3A_89 : memref<128xi32, #tpu.memory_space<vmem>>) semaphore(%arg8 : memref<!tpu.dma_semaphore, #tpu.memory_space<semaphore_mem>>)
    %dma_start3A_93 = arith.constant 7 : i32
    %dma_start3A_94 = arith.constant 1 : i32
    %dma_start3A_95 = arith.constant 3 : i32
    %dma_start3A_96 = arith.constant 0 : i32
    %dma_start3A_97 = arith.constant 0 : i32
    %dma_start3A_98 = tpu.memref_slice %arg6[%dma_start3A_94, %dma_start3A_95, %dma_start3A_96, %dma_start3A_97] : memref<2x4x128x64xf32, #tpu.memory_space<vmem>> -> memref<1x1x128x64xf32, #tpu.memory_space<vmem>>
    %dma_start3A_99 = tpu.memref_squeeze %dma_start3A_98 : memref<1x1x128x64xf32, #tpu.memory_space<vmem>> -> memref<128x64xf32, #tpu.memory_space<vmem>>
    %dma_start3A_100 = arith.constant 0 : i32
    %dma_start3A_101 = tpu.memref_slice %arg5[%dma_start3A_93, %dma_start3A_100] : memref<200x128xi32, #tpu.memory_space<vmem>> -> memref<1x128xi32, #tpu.memory_space<vmem>>
    %dma_start3A_102 = tpu.memref_squeeze %dma_start3A_101 : memref<1x128xi32, #tpu.memory_space<vmem>> -> memref<128xi32, #tpu.memory_space<vmem>>
    %dma_start3A_103 = arith.constant 0 : i32
    %dma_start3A_104 = arith.constant 0 : i32
    %dma_start3A_105 = tpu.memref_slice %arg3[%dma_start3A_103, %dma_start3A_104] : memref<1000000x64xf32, #tpu.memory_space<hbm>> -> memref<1000000x64xf32, #tpu.memory_space<hbm>>
    tpu.enqueue_indirect_dma source(%dma_start3A_105 : memref<1000000x64xf32, #tpu.memory_space<hbm>>) target(%dma_start3A_99 : memref<128x64xf32, #tpu.memory_space<vmem>>) offsets(%dma_start3A_102 : memref<128xi32, #tpu.memory_space<vmem>>) semaphore(%arg8 : memref<!tpu.dma_semaphore, #tpu.memory_space<semaphore_mem>>)
    %scan3A = arith.constant 0 : i32
    %scan3A_106 = arith.constant 0 : i32
    %scan3A_107 = arith.constant 24 : i32
    %scan3A_108 = arith.addi %scan3A_106, %scan3A_107 : i32
    %scan3A_109 = arith.constant 1 : i32
    scf.for %scan3A_282 = %scan3A_106 to %scan3A_108 step %scan3A_109  : i32 {
      %mul3A_283 = arith.constant 2 : i32
      %mul3A_284 = arith.muli %mul3A_283, %scan3A_282 : i32
      %mul3A_285 = arith.constant 4 : i32
      %mul3A_286 = arith.muli %mul3A_284, %mul3A_285 : i32
      %add3A_287 = arith.constant 0 : i32
      %add3A_288 = arith.addi %mul3A_286, %add3A_287 : i32
      %dma_wait3A_289 = arith.constant 0 : i32
      %dma_wait3A_290 = arith.constant 0 : i32
      %dma_wait3A_291 = arith.constant 0 : i32
      %dma_wait3A_292 = arith.constant 0 : i32
      %dma_wait3A_293 = tpu.memref_slice %arg6[%dma_wait3A_289, %dma_wait3A_290, %dma_wait3A_291, %dma_wait3A_292] : memref<2x4x128x64xf32, #tpu.memory_space<vmem>> -> memref<1x1x128x64xf32, #tpu.memory_space<vmem>>
      %dma_wait3A_294 = tpu.memref_squeeze %dma_wait3A_293 : memref<1x1x128x64xf32, #tpu.memory_space<vmem>> -> memref<128x64xf32, #tpu.memory_space<vmem>>
      %dma_wait3A_295 = arith.constant 0 : i32
      %dma_wait3A_296 = tpu.memref_slice %arg5[%add3A_288, %dma_wait3A_295] : memref<200x128xi32, #tpu.memory_space<vmem>> -> memref<1x128xi32, #tpu.memory_space<vmem>>
      %dma_wait3A_297 = tpu.memref_squeeze %dma_wait3A_296 : memref<1x128xi32, #tpu.memory_space<vmem>> -> memref<128xi32, #tpu.memory_space<vmem>>
      %dma_wait3A_298 = arith.constant 0 : i32
      %dma_wait3A_299 = arith.constant 0 : i32
      %dma_wait3A_300 = tpu.memref_slice %arg3[%dma_wait3A_298, %dma_wait3A_299] : memref<1000000x64xf32, #tpu.memory_space<hbm>> -> memref<1000000x64xf32, #tpu.memory_space<hbm>>
      tpu.wait_indirect_dma semaphore(%arg7 : memref<!tpu.dma_semaphore, #tpu.memory_space<semaphore_mem>>) src(%dma_wait3A_300 : memref<1000000x64xf32, #tpu.memory_space<hbm>>) dst(%dma_wait3A_294 : memref<128x64xf32, #tpu.memory_space<vmem>>)
      %mul3A_301 = arith.constant 4 : i32
      %mul3A_302 = arith.muli %mul3A_284, %mul3A_301 : i32
      %add3A_303 = arith.constant 1 : i32
      %add3A_304 = arith.addi %mul3A_302, %add3A_303 : i32
      %dma_wait3A_305 = arith.constant 0 : i32
      %dma_wait3A_306 = arith.constant 1 : i32
      %dma_wait3A_307 = arith.constant 0 : i32
      %dma_wait3A_308 = arith.constant 0 : i32
      %dma_wait3A_309 = tpu.memref_slice %arg6[%dma_wait3A_305, %dma_wait3A_306, %dma_wait3A_307, %dma_wait3A_308] : memref<2x4x128x64xf32, #tpu.memory_space<vmem>> -> memref<1x1x128x64xf32, #tpu.memory_space<vmem>>
      %dma_wait3A_310 = tpu.memref_squeeze %dma_wait3A_309 : memref<1x1x128x64xf32, #tpu.memory_space<vmem>> -> memref<128x64xf32, #tpu.memory_space<vmem>>
      %dma_wait3A_311 = arith.constant 0 : i32
      %dma_wait3A_312 = tpu.memref_slice %arg5[%add3A_304, %dma_wait3A_311] : memref<200x128xi32, #tpu.memory_space<vmem>> -> memref<1x128xi32, #tpu.memory_space<vmem>>
      %dma_wait3A_313 = tpu.memref_squeeze %dma_wait3A_312 : memref<1x128xi32, #tpu.memory_space<vmem>> -> memref<128xi32, #tpu.memory_space<vmem>>
      %dma_wait3A_314 = arith.constant 0 : i32
      %dma_wait3A_315 = arith.constant 0 : i32
      %dma_wait3A_316 = tpu.memref_slice %arg3[%dma_wait3A_314, %dma_wait3A_315] : memref<1000000x64xf32, #tpu.memory_space<hbm>> -> memref<1000000x64xf32, #tpu.memory_space<hbm>>
      tpu.wait_indirect_dma semaphore(%arg7 : memref<!tpu.dma_semaphore, #tpu.memory_space<semaphore_mem>>) src(%dma_wait3A_316 : memref<1000000x64xf32, #tpu.memory_space<hbm>>) dst(%dma_wait3A_310 : memref<128x64xf32, #tpu.memory_space<vmem>>)
      %mul3A_317 = arith.constant 4 : i32
      %mul3A_318 = arith.muli %mul3A_284, %mul3A_317 : i32
      %add3A_319 = arith.constant 2 : i32
      %add3A_320 = arith.addi %mul3A_318, %add3A_319 : i32
      %dma_wait3A_321 = arith.constant 0 : i32
      %dma_wait3A_322 = arith.constant 2 : i32
      %dma_wait3A_323 = arith.constant 0 : i32
      %dma_wait3A_324 = arith.constant 0 : i32
      %dma_wait3A_325 = tpu.memref_slice %arg6[%dma_wait3A_321, %dma_wait3A_322, %dma_wait3A_323, %dma_wait3A_324] : memref<2x4x128x64xf32, #tpu.memory_space<vmem>> -> memref<1x1x128x64xf32, #tpu.memory_space<vmem>>
      %dma_wait3A_326 = tpu.memref_squeeze %dma_wait3A_325 : memref<1x1x128x64xf32, #tpu.memory_space<vmem>> -> memref<128x64xf32, #tpu.memory_space<vmem>>
      %dma_wait3A_327 = arith.constant 0 : i32
      %dma_wait3A_328 = tpu.memref_slice %arg5[%add3A_320, %dma_wait3A_327] : memref<200x128xi32, #tpu.memory_space<vmem>> -> memref<1x128xi32, #tpu.memory_space<vmem>>
      %dma_wait3A_329 = tpu.memref_squeeze %dma_wait3A_328 : memref<1x128xi32, #tpu.memory_space<vmem>> -> memref<128xi32, #tpu.memory_space<vmem>>
      %dma_wait3A_330 = arith.constant 0 : i32
      %dma_wait3A_331 = arith.constant 0 : i32
      %dma_wait3A_332 = tpu.memref_slice %arg3[%dma_wait3A_330, %dma_wait3A_331] : memref<1000000x64xf32, #tpu.memory_space<hbm>> -> memref<1000000x64xf32, #tpu.memory_space<hbm>>
      tpu.wait_indirect_dma semaphore(%arg7 : memref<!tpu.dma_semaphore, #tpu.memory_space<semaphore_mem>>) src(%dma_wait3A_332 : memref<1000000x64xf32, #tpu.memory_space<hbm>>) dst(%dma_wait3A_326 : memref<128x64xf32, #tpu.memory_space<vmem>>)
      %mul3A_333 = arith.constant 4 : i32
      %mul3A_334 = arith.muli %mul3A_284, %mul3A_333 : i32
      %add3A_335 = arith.constant 3 : i32
      %add3A_336 = arith.addi %mul3A_334, %add3A_335 : i32
      %dma_wait3A_337 = arith.constant 0 : i32
      %dma_wait3A_338 = arith.constant 3 : i32
      %dma_wait3A_339 = arith.constant 0 : i32
      %dma_wait3A_340 = arith.constant 0 : i32
      %dma_wait3A_341 = tpu.memref_slice %arg6[%dma_wait3A_337, %dma_wait3A_338, %dma_wait3A_339, %dma_wait3A_340] : memref<2x4x128x64xf32, #tpu.memory_space<vmem>> -> memref<1x1x128x64xf32, #tpu.memory_space<vmem>>
      %dma_wait3A_342 = tpu.memref_squeeze %dma_wait3A_341 : memref<1x1x128x64xf32, #tpu.memory_space<vmem>> -> memref<128x64xf32, #tpu.memory_space<vmem>>
      %dma_wait3A_343 = arith.constant 0 : i32
      %dma_wait3A_344 = tpu.memref_slice %arg5[%add3A_336, %dma_wait3A_343] : memref<200x128xi32, #tpu.memory_space<vmem>> -> memref<1x128xi32, #tpu.memory_space<vmem>>
      %dma_wait3A_345 = tpu.memref_squeeze %dma_wait3A_344 : memref<1x128xi32, #tpu.memory_space<vmem>> -> memref<128xi32, #tpu.memory_space<vmem>>
      %dma_wait3A_346 = arith.constant 0 : i32
      %dma_wait3A_347 = arith.constant 0 : i32
      %dma_wait3A_348 = tpu.memref_slice %arg3[%dma_wait3A_346, %dma_wait3A_347] : memref<1000000x64xf32, #tpu.memory_space<hbm>> -> memref<1000000x64xf32, #tpu.memory_space<hbm>>
      tpu.wait_indirect_dma semaphore(%arg7 : memref<!tpu.dma_semaphore, #tpu.memory_space<semaphore_mem>>) src(%dma_wait3A_348 : memref<1000000x64xf32, #tpu.memory_space<hbm>>) dst(%dma_wait3A_342 : memref<128x64xf32, #tpu.memory_space<vmem>>)
      %mul3A_349 = arith.constant 4 : i32
      %mul3A_350 = arith.muli %mul3A_284, %mul3A_349 : i32
      %dma_start3A_351 = arith.constant 0 : i32
      %dma_start3A_352 = arith.constant 0 : i32
      %dma_start3A_353 = arith.constant 0 : i32
      %dma_start3A_354 = arith.constant 0 : i32
      %dma_start3A_355 = tpu.memref_slice %arg6[%dma_start3A_351, %dma_start3A_352, %dma_start3A_353, %dma_start3A_354] : memref<2x4x128x64xf32, #tpu.memory_space<vmem>> -> memref<1x4x128x64xf32, #tpu.memory_space<vmem>>
      %dma_start3A_356 = tpu.memref_squeeze %dma_start3A_355 : memref<1x4x128x64xf32, #tpu.memory_space<vmem>> -> memref<4x128x64xf32, #tpu.memory_space<vmem>>
      %dma_start3A_357 = arith.constant 0 : i32
      %dma_start3A_358 = tpu.memref_slice %arg4[%mul3A_350, %mul3A_2, %dma_start3A_357] : memref<200x4096x64xf32, #tpu.memory_space<hbm>> -> memref<4x128x64xf32, #tpu.memory_space<hbm>>
      %dma_start3A_359 = arith.constant 0 : i32
      %dma_start3A_360 = tpu.memref_slice %arg4[%mul3A_350, %mul3A_2, %dma_start3A_359] : memref<200x4096x64xf32, #tpu.memory_space<hbm>> -> memref<4x128x64xf32, #tpu.memory_space<hbm>>
      %dma_start3A_361 = arith.constant 0 : i32
      %dma_start3A_362 = arith.constant 0 : i32
      %dma_start3A_363 = arith.constant 0 : i32
      %dma_start3A_364 = tpu.memref_slice %arg6[%dma_start3A_351, %dma_start3A_361, %dma_start3A_362, %dma_start3A_363] : memref<2x4x128x64xf32, #tpu.memory_space<vmem>> -> memref<1x4x128x64xf32, #tpu.memory_space<vmem>>
      %dma_start3A_365 = tpu.memref_squeeze %dma_start3A_364 : memref<1x4x128x64xf32, #tpu.memory_space<vmem>> -> memref<4x128x64xf32, #tpu.memory_space<vmem>>
      tpu.enqueue_dma source(%dma_start3A_365 : memref<4x128x64xf32, #tpu.memory_space<vmem>>) target(%dma_start3A_360 : memref<4x128x64xf32, #tpu.memory_space<hbm>>) target_semaphore(%arg9 : memref<!tpu.dma_semaphore, #tpu.memory_space<semaphore_mem>>)
      %add3A_366 = arith.constant 1 : i32
      %add3A_367 = arith.addi %mul3A_284, %add3A_366 : i32
      %mul3A_368 = arith.constant 4 : i32
      %mul3A_369 = arith.muli %add3A_367, %mul3A_368 : i32
      %add3A_370 = arith.constant 0 : i32
      %add3A_371 = arith.addi %mul3A_369, %add3A_370 : i32
      %dma_wait3A_372 = arith.constant 1 : i32
      %dma_wait3A_373 = arith.constant 0 : i32
      %dma_wait3A_374 = arith.constant 0 : i32
      %dma_wait3A_375 = arith.constant 0 : i32
      %dma_wait3A_376 = tpu.memref_slice %arg6[%dma_wait3A_372, %dma_wait3A_373, %dma_wait3A_374, %dma_wait3A_375] : memref<2x4x128x64xf32, #tpu.memory_space<vmem>> -> memref<1x1x128x64xf32, #tpu.memory_space<vmem>>
      %dma_wait3A_377 = tpu.memref_squeeze %dma_wait3A_376 : memref<1x1x128x64xf32, #tpu.memory_space<vmem>> -> memref<128x64xf32, #tpu.memory_space<vmem>>
      %dma_wait3A_378 = arith.constant 0 : i32
      %dma_wait3A_379 = tpu.memref_slice %arg5[%add3A_371, %dma_wait3A_378] : memref<200x128xi32, #tpu.memory_space<vmem>> -> memref<1x128xi32, #tpu.memory_space<vmem>>
      %dma_wait3A_380 = tpu.memref_squeeze %dma_wait3A_379 : memref<1x128xi32, #tpu.memory_space<vmem>> -> memref<128xi32, #tpu.memory_space<vmem>>
      %dma_wait3A_381 = arith.constant 0 : i32
      %dma_wait3A_382 = arith.constant 0 : i32
      %dma_wait3A_383 = tpu.memref_slice %arg3[%dma_wait3A_381, %dma_wait3A_382] : memref<1000000x64xf32, #tpu.memory_space<hbm>> -> memref<1000000x64xf32, #tpu.memory_space<hbm>>
      tpu.wait_indirect_dma semaphore(%arg8 : memref<!tpu.dma_semaphore, #tpu.memory_space<semaphore_mem>>) src(%dma_wait3A_383 : memref<1000000x64xf32, #tpu.memory_space<hbm>>) dst(%dma_wait3A_377 : memref<128x64xf32, #tpu.memory_space<vmem>>)
      %mul3A_384 = arith.constant 4 : i32
      %mul3A_385 = arith.muli %add3A_367, %mul3A_384 : i32
      %add3A_386 = arith.constant 1 : i32
      %add3A_387 = arith.addi %mul3A_385, %add3A_386 : i32
      %dma_wait3A_388 = arith.constant 1 : i32
      %dma_wait3A_389 = arith.constant 1 : i32
      %dma_wait3A_390 = arith.constant 0 : i32
      %dma_wait3A_391 = arith.constant 0 : i32
      %dma_wait3A_392 = tpu.memref_slice %arg6[%dma_wait3A_388, %dma_wait3A_389, %dma_wait3A_390, %dma_wait3A_391] : memref<2x4x128x64xf32, #tpu.memory_space<vmem>> -> memref<1x1x128x64xf32, #tpu.memory_space<vmem>>
      %dma_wait3A_393 = tpu.memref_squeeze %dma_wait3A_392 : memref<1x1x128x64xf32, #tpu.memory_space<vmem>> -> memref<128x64xf32, #tpu.memory_space<vmem>>
      %dma_wait3A_394 = arith.constant 0 : i32
      %dma_wait3A_395 = tpu.memref_slice %arg5[%add3A_387, %dma_wait3A_394] : memref<200x128xi32, #tpu.memory_space<vmem>> -> memref<1x128xi32, #tpu.memory_space<vmem>>
      %dma_wait3A_396 = tpu.memref_squeeze %dma_wait3A_395 : memref<1x128xi32, #tpu.memory_space<vmem>> -> memref<128xi32, #tpu.memory_space<vmem>>
      %dma_wait3A_397 = arith.constant 0 : i32
      %dma_wait3A_398 = arith.constant 0 : i32
      %dma_wait3A_399 = tpu.memref_slice %arg3[%dma_wait3A_397, %dma_wait3A_398] : memref<1000000x64xf32, #tpu.memory_space<hbm>> -> memref<1000000x64xf32, #tpu.memory_space<hbm>>
      tpu.wait_indirect_dma semaphore(%arg8 : memref<!tpu.dma_semaphore, #tpu.memory_space<semaphore_mem>>) src(%dma_wait3A_399 : memref<1000000x64xf32, #tpu.memory_space<hbm>>) dst(%dma_wait3A_393 : memref<128x64xf32, #tpu.memory_space<vmem>>)
      %mul3A_400 = arith.constant 4 : i32
      %mul3A_401 = arith.muli %add3A_367, %mul3A_400 : i32
      %add3A_402 = arith.constant 2 : i32
      %add3A_403 = arith.addi %mul3A_401, %add3A_402 : i32
      %dma_wait3A_404 = arith.constant 1 : i32
      %dma_wait3A_405 = arith.constant 2 : i32
      %dma_wait3A_406 = arith.constant 0 : i32
      %dma_wait3A_407 = arith.constant 0 : i32
      %dma_wait3A_408 = tpu.memref_slice %arg6[%dma_wait3A_404, %dma_wait3A_405, %dma_wait3A_406, %dma_wait3A_407] : memref<2x4x128x64xf32, #tpu.memory_space<vmem>> -> memref<1x1x128x64xf32, #tpu.memory_space<vmem>>
      %dma_wait3A_409 = tpu.memref_squeeze %dma_wait3A_408 : memref<1x1x128x64xf32, #tpu.memory_space<vmem>> -> memref<128x64xf32, #tpu.memory_space<vmem>>
      %dma_wait3A_410 = arith.constant 0 : i32
      %dma_wait3A_411 = tpu.memref_slice %arg5[%add3A_403, %dma_wait3A_410] : memref<200x128xi32, #tpu.memory_space<vmem>> -> memref<1x128xi32, #tpu.memory_space<vmem>>
      %dma_wait3A_412 = tpu.memref_squeeze %dma_wait3A_411 : memref<1x128xi32, #tpu.memory_space<vmem>> -> memref<128xi32, #tpu.memory_space<vmem>>
      %dma_wait3A_413 = arith.constant 0 : i32
      %dma_wait3A_414 = arith.constant 0 : i32
      %dma_wait3A_415 = tpu.memref_slice %arg3[%dma_wait3A_413, %dma_wait3A_414] : memref<1000000x64xf32, #tpu.memory_space<hbm>> -> memref<1000000x64xf32, #tpu.memory_space<hbm>>
      tpu.wait_indirect_dma semaphore(%arg8 : memref<!tpu.dma_semaphore, #tpu.memory_space<semaphore_mem>>) src(%dma_wait3A_415 : memref<1000000x64xf32, #tpu.memory_space<hbm>>) dst(%dma_wait3A_409 : memref<128x64xf32, #tpu.memory_space<vmem>>)
      %mul3A_416 = arith.constant 4 : i32
      %mul3A_417 = arith.muli %add3A_367, %mul3A_416 : i32
      %add3A_418 = arith.constant 3 : i32
      %add3A_419 = arith.addi %mul3A_417, %add3A_418 : i32
      %dma_wait3A_420 = arith.constant 1 : i32
      %dma_wait3A_421 = arith.constant 3 : i32
      %dma_wait3A_422 = arith.constant 0 : i32
      %dma_wait3A_423 = arith.constant 0 : i32
      %dma_wait3A_424 = tpu.memref_slice %arg6[%dma_wait3A_420, %dma_wait3A_421, %dma_wait3A_422, %dma_wait3A_423] : memref<2x4x128x64xf32, #tpu.memory_space<vmem>> -> memref<1x1x128x64xf32, #tpu.memory_space<vmem>>
      %dma_wait3A_425 = tpu.memref_squeeze %dma_wait3A_424 : memref<1x1x128x64xf32, #tpu.memory_space<vmem>> -> memref<128x64xf32, #tpu.memory_space<vmem>>
      %dma_wait3A_426 = arith.constant 0 : i32
      %dma_wait3A_427 = tpu.memref_slice %arg5[%add3A_419, %dma_wait3A_426] : memref<200x128xi32, #tpu.memory_space<vmem>> -> memref<1x128xi32, #tpu.memory_space<vmem>>
      %dma_wait3A_428 = tpu.memref_squeeze %dma_wait3A_427 : memref<1x128xi32, #tpu.memory_space<vmem>> -> memref<128xi32, #tpu.memory_space<vmem>>
      %dma_wait3A_429 = arith.constant 0 : i32
      %dma_wait3A_430 = arith.constant 0 : i32
      %dma_wait3A_431 = tpu.memref_slice %arg3[%dma_wait3A_429, %dma_wait3A_430] : memref<1000000x64xf32, #tpu.memory_space<hbm>> -> memref<1000000x64xf32, #tpu.memory_space<hbm>>
      tpu.wait_indirect_dma semaphore(%arg8 : memref<!tpu.dma_semaphore, #tpu.memory_space<semaphore_mem>>) src(%dma_wait3A_431 : memref<1000000x64xf32, #tpu.memory_space<hbm>>) dst(%dma_wait3A_425 : memref<128x64xf32, #tpu.memory_space<vmem>>)
      %add3A_432 = arith.constant 1 : i32
      %add3A_433 = arith.addi %mul3A_284, %add3A_432 : i32
      %mul3A_434 = arith.constant 4 : i32
      %mul3A_435 = arith.muli %add3A_433, %mul3A_434 : i32
      %dma_start3A_436 = arith.constant 1 : i32
      %dma_start3A_437 = arith.constant 0 : i32
      %dma_start3A_438 = arith.constant 0 : i32
      %dma_start3A_439 = arith.constant 0 : i32
      %dma_start3A_440 = tpu.memref_slice %arg6[%dma_start3A_436, %dma_start3A_437, %dma_start3A_438, %dma_start3A_439] : memref<2x4x128x64xf32, #tpu.memory_space<vmem>> -> memref<1x4x128x64xf32, #tpu.memory_space<vmem>>
      %dma_start3A_441 = tpu.memref_squeeze %dma_start3A_440 : memref<1x4x128x64xf32, #tpu.memory_space<vmem>> -> memref<4x128x64xf32, #tpu.memory_space<vmem>>
      %dma_start3A_442 = arith.constant 0 : i32
      %dma_start3A_443 = tpu.memref_slice %arg4[%mul3A_435, %mul3A_2, %dma_start3A_442] : memref<200x4096x64xf32, #tpu.memory_space<hbm>> -> memref<4x128x64xf32, #tpu.memory_space<hbm>>
      %dma_start3A_444 = arith.constant 0 : i32
      %dma_start3A_445 = tpu.memref_slice %arg4[%mul3A_435, %mul3A_2, %dma_start3A_444] : memref<200x4096x64xf32, #tpu.memory_space<hbm>> -> memref<4x128x64xf32, #tpu.memory_space<hbm>>
      %dma_start3A_446 = arith.constant 0 : i32
      %dma_start3A_447 = arith.constant 0 : i32
      %dma_start3A_448 = arith.constant 0 : i32
      %dma_start3A_449 = tpu.memref_slice %arg6[%dma_start3A_436, %dma_start3A_446, %dma_start3A_447, %dma_start3A_448] : memref<2x4x128x64xf32, #tpu.memory_space<vmem>> -> memref<1x4x128x64xf32, #tpu.memory_space<vmem>>
      %dma_start3A_450 = tpu.memref_squeeze %dma_start3A_449 : memref<1x4x128x64xf32, #tpu.memory_space<vmem>> -> memref<4x128x64xf32, #tpu.memory_space<vmem>>
      tpu.enqueue_dma source(%dma_start3A_450 : memref<4x128x64xf32, #tpu.memory_space<vmem>>) target(%dma_start3A_445 : memref<4x128x64xf32, #tpu.memory_space<hbm>>) target_semaphore(%arg10 : memref<!tpu.dma_semaphore, #tpu.memory_space<semaphore_mem>>)
      %mul3A_451 = arith.constant 4 : i32
      %mul3A_452 = arith.muli %mul3A_284, %mul3A_451 : i32
      %dma_wait3A_453 = arith.constant 0 : i32
      %dma_wait3A_454 = arith.constant 0 : i32
      %dma_wait3A_455 = arith.constant 0 : i32
      %dma_wait3A_456 = arith.constant 0 : i32
      %dma_wait3A_457 = tpu.memref_slice %arg6[%dma_wait3A_453, %dma_wait3A_454, %dma_wait3A_455, %dma_wait3A_456] : memref<2x4x128x64xf32, #tpu.memory_space<vmem>> -> memref<1x4x128x64xf32, #tpu.memory_space<vmem>>
      %dma_wait3A_458 = tpu.memref_squeeze %dma_wait3A_457 : memref<1x4x128x64xf32, #tpu.memory_space<vmem>> -> memref<4x128x64xf32, #tpu.memory_space<vmem>>
      %dma_wait3A_459 = arith.constant 0 : i32
      %dma_wait3A_460 = tpu.memref_slice %arg4[%mul3A_452, %mul3A_2, %dma_wait3A_459] : memref<200x4096x64xf32, #tpu.memory_space<hbm>> -> memref<4x128x64xf32, #tpu.memory_space<hbm>>
      %dma_wait3A_461 = arith.constant 0 : i32
      %dma_wait3A_462 = tpu.memref_slice %arg4[%mul3A_452, %mul3A_2, %dma_wait3A_461] : memref<200x4096x64xf32, #tpu.memory_space<hbm>> -> memref<4x128x64xf32, #tpu.memory_space<hbm>>
      %dma_wait3A_463 = arith.constant 0 : i32
      %dma_wait3A_464 = arith.constant 0 : i32
      %dma_wait3A_465 = arith.constant 0 : i32
      %dma_wait3A_466 = tpu.memref_slice %arg6[%dma_wait3A_453, %dma_wait3A_463, %dma_wait3A_464, %dma_wait3A_465] : memref<2x4x128x64xf32, #tpu.memory_space<vmem>> -> memref<1x4x128x64xf32, #tpu.memory_space<vmem>>
      %dma_wait3A_467 = tpu.memref_squeeze %dma_wait3A_466 : memref<1x4x128x64xf32, #tpu.memory_space<vmem>> -> memref<4x128x64xf32, #tpu.memory_space<vmem>>
      tpu.wait_dma2 semaphore(%arg9 : memref<!tpu.dma_semaphore, #tpu.memory_space<semaphore_mem>>) src(%dma_wait3A_467 : memref<4x128x64xf32, #tpu.memory_space<vmem>>) dst(%dma_wait3A_462 : memref<4x128x64xf32, #tpu.memory_space<hbm>>)
      %add3A_468 = arith.constant 2 : i32
      %add3A_469 = arith.addi %mul3A_284, %add3A_468 : i32
      %mul3A_470 = arith.constant 4 : i32
      %mul3A_471 = arith.muli %add3A_469, %mul3A_470 : i32
      %add3A_472 = arith.constant 0 : i32
      %add3A_473 = arith.addi %mul3A_471, %add3A_472 : i32
      %dma_start3A_474 = arith.constant 0 : i32
      %dma_start3A_475 = arith.constant 0 : i32
      %dma_start3A_476 = arith.constant 0 : i32
      %dma_start3A_477 = arith.constant 0 : i32
      %dma_start3A_478 = tpu.memref_slice %arg6[%dma_start3A_474, %dma_start3A_475, %dma_start3A_476, %dma_start3A_477] : memref<2x4x128x64xf32, #tpu.memory_space<vmem>> -> memref<1x1x128x64xf32, #tpu.memory_space<vmem>>
      %dma_start3A_479 = tpu.memref_squeeze %dma_start3A_478 : memref<1x1x128x64xf32, #tpu.memory_space<vmem>> -> memref<128x64xf32, #tpu.memory_space<vmem>>
      %dma_start3A_480 = arith.constant 0 : i32
      %dma_start3A_481 = tpu.memref_slice %arg5[%add3A_473, %dma_start3A_480] : memref<200x128xi32, #tpu.memory_space<vmem>> -> memref<1x128xi32, #tpu.memory_space<vmem>>
      %dma_start3A_482 = tpu.memref_squeeze %dma_start3A_481 : memref<1x128xi32, #tpu.memory_space<vmem>> -> memref<128xi32, #tpu.memory_space<vmem>>
      %dma_start3A_483 = arith.constant 0 : i32
      %dma_start3A_484 = arith.constant 0 : i32
      %dma_start3A_485 = tpu.memref_slice %arg3[%dma_start3A_483, %dma_start3A_484] : memref<1000000x64xf32, #tpu.memory_space<hbm>> -> memref<1000000x64xf32, #tpu.memory_space<hbm>>
      tpu.enqueue_indirect_dma source(%dma_start3A_485 : memref<1000000x64xf32, #tpu.memory_space<hbm>>) target(%dma_start3A_479 : memref<128x64xf32, #tpu.memory_space<vmem>>) offsets(%dma_start3A_482 : memref<128xi32, #tpu.memory_space<vmem>>) semaphore(%arg7 : memref<!tpu.dma_semaphore, #tpu.memory_space<semaphore_mem>>)
      %mul3A_486 = arith.constant 4 : i32
      %mul3A_487 = arith.muli %add3A_469, %mul3A_486 : i32
      %add3A_488 = arith.constant 1 : i32
      %add3A_489 = arith.addi %mul3A_487, %add3A_488 : i32
      %dma_start3A_490 = arith.constant 0 : i32
      %dma_start3A_491 = arith.constant 1 : i32
      %dma_start3A_492 = arith.constant 0 : i32
      %dma_start3A_493 = arith.constant 0 : i32
      %dma_start3A_494 = tpu.memref_slice %arg6[%dma_start3A_490, %dma_start3A_491, %dma_start3A_492, %dma_start3A_493] : memref<2x4x128x64xf32, #tpu.memory_space<vmem>> -> memref<1x1x128x64xf32, #tpu.memory_space<vmem>>
      %dma_start3A_495 = tpu.memref_squeeze %dma_start3A_494 : memref<1x1x128x64xf32, #tpu.memory_space<vmem>> -> memref<128x64xf32, #tpu.memory_space<vmem>>
      %dma_start3A_496 = arith.constant 0 : i32
      %dma_start3A_497 = tpu.memref_slice %arg5[%add3A_489, %dma_start3A_496] : memref<200x128xi32, #tpu.memory_space<vmem>> -> memref<1x128xi32, #tpu.memory_space<vmem>>
      %dma_start3A_498 = tpu.memref_squeeze %dma_start3A_497 : memref<1x128xi32, #tpu.memory_space<vmem>> -> memref<128xi32, #tpu.memory_space<vmem>>
      %dma_start3A_499 = arith.constant 0 : i32
      %dma_start3A_500 = arith.constant 0 : i32
      %dma_start3A_501 = tpu.memref_slice %arg3[%dma_start3A_499, %dma_start3A_500] : memref<1000000x64xf32, #tpu.memory_space<hbm>> -> memref<1000000x64xf32, #tpu.memory_space<hbm>>
      tpu.enqueue_indirect_dma source(%dma_start3A_501 : memref<1000000x64xf32, #tpu.memory_space<hbm>>) target(%dma_start3A_495 : memref<128x64xf32, #tpu.memory_space<vmem>>) offsets(%dma_start3A_498 : memref<128xi32, #tpu.memory_space<vmem>>) semaphore(%arg7 : memref<!tpu.dma_semaphore, #tpu.memory_space<semaphore_mem>>)
      %mul3A_502 = arith.constant 4 : i32
      %mul3A_503 = arith.muli %add3A_469, %mul3A_502 : i32
      %add3A_504 = arith.constant 2 : i32
      %add3A_505 = arith.addi %mul3A_503, %add3A_504 : i32
      %dma_start3A_506 = arith.constant 0 : i32
      %dma_start3A_507 = arith.constant 2 : i32
      %dma_start3A_508 = arith.constant 0 : i32
      %dma_start3A_509 = arith.constant 0 : i32
      %dma_start3A_510 = tpu.memref_slice %arg6[%dma_start3A_506, %dma_start3A_507, %dma_start3A_508, %dma_start3A_509] : memref<2x4x128x64xf32, #tpu.memory_space<vmem>> -> memref<1x1x128x64xf32, #tpu.memory_space<vmem>>
      %dma_start3A_511 = tpu.memref_squeeze %dma_start3A_510 : memref<1x1x128x64xf32, #tpu.memory_space<vmem>> -> memref<128x64xf32, #tpu.memory_space<vmem>>
      %dma_start3A_512 = arith.constant 0 : i32
      %dma_start3A_513 = tpu.memref_slice %arg5[%add3A_505, %dma_start3A_512] : memref<200x128xi32, #tpu.memory_space<vmem>> -> memref<1x128xi32, #tpu.memory_space<vmem>>
      %dma_start3A_514 = tpu.memref_squeeze %dma_start3A_513 : memref<1x128xi32, #tpu.memory_space<vmem>> -> memref<128xi32, #tpu.memory_space<vmem>>
      %dma_start3A_515 = arith.constant 0 : i32
      %dma_start3A_516 = arith.constant 0 : i32
      %dma_start3A_517 = tpu.memref_slice %arg3[%dma_start3A_515, %dma_start3A_516] : memref<1000000x64xf32, #tpu.memory_space<hbm>> -> memref<1000000x64xf32, #tpu.memory_space<hbm>>
      tpu.enqueue_indirect_dma source(%dma_start3A_517 : memref<1000000x64xf32, #tpu.memory_space<hbm>>) target(%dma_start3A_511 : memref<128x64xf32, #tpu.memory_space<vmem>>) offsets(%dma_start3A_514 : memref<128xi32, #tpu.memory_space<vmem>>) semaphore(%arg7 : memref<!tpu.dma_semaphore, #tpu.memory_space<semaphore_mem>>)
      %mul3A_518 = arith.constant 4 : i32
      %mul3A_519 = arith.muli %add3A_469, %mul3A_518 : i32
      %add3A_520 = arith.constant 3 : i32
      %add3A_521 = arith.addi %mul3A_519, %add3A_520 : i32
      %dma_start3A_522 = arith.constant 0 : i32
      %dma_start3A_523 = arith.constant 3 : i32
      %dma_start3A_524 = arith.constant 0 : i32
      %dma_start3A_525 = arith.constant 0 : i32
      %dma_start3A_526 = tpu.memref_slice %arg6[%dma_start3A_522, %dma_start3A_523, %dma_start3A_524, %dma_start3A_525] : memref<2x4x128x64xf32, #tpu.memory_space<vmem>> -> memref<1x1x128x64xf32, #tpu.memory_space<vmem>>
      %dma_start3A_527 = tpu.memref_squeeze %dma_start3A_526 : memref<1x1x128x64xf32, #tpu.memory_space<vmem>> -> memref<128x64xf32, #tpu.memory_space<vmem>>
      %dma_start3A_528 = arith.constant 0 : i32
      %dma_start3A_529 = tpu.memref_slice %arg5[%add3A_521, %dma_start3A_528] : memref<200x128xi32, #tpu.memory_space<vmem>> -> memref<1x128xi32, #tpu.memory_space<vmem>>
      %dma_start3A_530 = tpu.memref_squeeze %dma_start3A_529 : memref<1x128xi32, #tpu.memory_space<vmem>> -> memref<128xi32, #tpu.memory_space<vmem>>
      %dma_start3A_531 = arith.constant 0 : i32
      %dma_start3A_532 = arith.constant 0 : i32
      %dma_start3A_533 = tpu.memref_slice %arg3[%dma_start3A_531, %dma_start3A_532] : memref<1000000x64xf32, #tpu.memory_space<hbm>> -> memref<1000000x64xf32, #tpu.memory_space<hbm>>
      tpu.enqueue_indirect_dma source(%dma_start3A_533 : memref<1000000x64xf32, #tpu.memory_space<hbm>>) target(%dma_start3A_527 : memref<128x64xf32, #tpu.memory_space<vmem>>) offsets(%dma_start3A_530 : memref<128xi32, #tpu.memory_space<vmem>>) semaphore(%arg7 : memref<!tpu.dma_semaphore, #tpu.memory_space<semaphore_mem>>)
      %add3A_534 = arith.constant 1 : i32
      %add3A_535 = arith.addi %mul3A_284, %add3A_534 : i32
      %mul3A_536 = arith.constant 4 : i32
      %mul3A_537 = arith.muli %add3A_535, %mul3A_536 : i32
      %dma_wait3A_538 = arith.constant 1 : i32
      %dma_wait3A_539 = arith.constant 0 : i32
      %dma_wait3A_540 = arith.constant 0 : i32
      %dma_wait3A_541 = arith.constant 0 : i32
      %dma_wait3A_542 = tpu.memref_slice %arg6[%dma_wait3A_538, %dma_wait3A_539, %dma_wait3A_540, %dma_wait3A_541] : memref<2x4x128x64xf32, #tpu.memory_space<vmem>> -> memref<1x4x128x64xf32, #tpu.memory_space<vmem>>
      %dma_wait3A_543 = tpu.memref_squeeze %dma_wait3A_542 : memref<1x4x128x64xf32, #tpu.memory_space<vmem>> -> memref<4x128x64xf32, #tpu.memory_space<vmem>>
      %dma_wait3A_544 = arith.constant 0 : i32
      %dma_wait3A_545 = tpu.memref_slice %arg4[%mul3A_537, %mul3A_2, %dma_wait3A_544] : memref<200x4096x64xf32, #tpu.memory_space<hbm>> -> memref<4x128x64xf32, #tpu.memory_space<hbm>>
      %dma_wait3A_546 = arith.constant 0 : i32
      %dma_wait3A_547 = tpu.memref_slice %arg4[%mul3A_537, %mul3A_2, %dma_wait3A_546] : memref<200x4096x64xf32, #tpu.memory_space<hbm>> -> memref<4x128x64xf32, #tpu.memory_space<hbm>>
      %dma_wait3A_548 = arith.constant 0 : i32
      %dma_wait3A_549 = arith.constant 0 : i32
      %dma_wait3A_550 = arith.constant 0 : i32
      %dma_wait3A_551 = tpu.memref_slice %arg6[%dma_wait3A_538, %dma_wait3A_548, %dma_wait3A_549, %dma_wait3A_550] : memref<2x4x128x64xf32, #tpu.memory_space<vmem>> -> memref<1x4x128x64xf32, #tpu.memory_space<vmem>>
      %dma_wait3A_552 = tpu.memref_squeeze %dma_wait3A_551 : memref<1x4x128x64xf32, #tpu.memory_space<vmem>> -> memref<4x128x64xf32, #tpu.memory_space<vmem>>
      tpu.wait_dma2 semaphore(%arg10 : memref<!tpu.dma_semaphore, #tpu.memory_space<semaphore_mem>>) src(%dma_wait3A_552 : memref<4x128x64xf32, #tpu.memory_space<vmem>>) dst(%dma_wait3A_547 : memref<4x128x64xf32, #tpu.memory_space<hbm>>)
      %add3A_553 = arith.constant 3 : i32
      %add3A_554 = arith.addi %mul3A_284, %add3A_553 : i32
      %mul3A_555 = arith.constant 4 : i32
      %mul3A_556 = arith.muli %add3A_554, %mul3A_555 : i32
      %add3A_557 = arith.constant 0 : i32
      %add3A_558 = arith.addi %mul3A_556, %add3A_557 : i32
      %dma_start3A_559 = arith.constant 1 : i32
      %dma_start3A_560 = arith.constant 0 : i32
      %dma_start3A_561 = arith.constant 0 : i32
      %dma_start3A_562 = arith.constant 0 : i32
      %dma_start3A_563 = tpu.memref_slice %arg6[%dma_start3A_559, %dma_start3A_560, %dma_start3A_561, %dma_start3A_562] : memref<2x4x128x64xf32, #tpu.memory_space<vmem>> -> memref<1x1x128x64xf32, #tpu.memory_space<vmem>>
      %dma_start3A_564 = tpu.memref_squeeze %dma_start3A_563 : memref<1x1x128x64xf32, #tpu.memory_space<vmem>> -> memref<128x64xf32, #tpu.memory_space<vmem>>
      %dma_start3A_565 = arith.constant 0 : i32
      %dma_start3A_566 = tpu.memref_slice %arg5[%add3A_558, %dma_start3A_565] : memref<200x128xi32, #tpu.memory_space<vmem>> -> memref<1x128xi32, #tpu.memory_space<vmem>>
      %dma_start3A_567 = tpu.memref_squeeze %dma_start3A_566 : memref<1x128xi32, #tpu.memory_space<vmem>> -> memref<128xi32, #tpu.memory_space<vmem>>
      %dma_start3A_568 = arith.constant 0 : i32
      %dma_start3A_569 = arith.constant 0 : i32
      %dma_start3A_570 = tpu.memref_slice %arg3[%dma_start3A_568, %dma_start3A_569] : memref<1000000x64xf32, #tpu.memory_space<hbm>> -> memref<1000000x64xf32, #tpu.memory_space<hbm>>
      tpu.enqueue_indirect_dma source(%dma_start3A_570 : memref<1000000x64xf32, #tpu.memory_space<hbm>>) target(%dma_start3A_564 : memref<128x64xf32, #tpu.memory_space<vmem>>) offsets(%dma_start3A_567 : memref<128xi32, #tpu.memory_space<vmem>>) semaphore(%arg8 : memref<!tpu.dma_semaphore, #tpu.memory_space<semaphore_mem>>)
      %mul3A_571 = arith.constant 4 : i32
      %mul3A_572 = arith.muli %add3A_554, %mul3A_571 : i32
      %add3A_573 = arith.constant 1 : i32
      %add3A_574 = arith.addi %mul3A_572, %add3A_573 : i32
      %dma_start3A_575 = arith.constant 1 : i32
      %dma_start3A_576 = arith.constant 1 : i32
      %dma_start3A_577 = arith.constant 0 : i32
      %dma_start3A_578 = arith.constant 0 : i32
      %dma_start3A_579 = tpu.memref_slice %arg6[%dma_start3A_575, %dma_start3A_576, %dma_start3A_577, %dma_start3A_578] : memref<2x4x128x64xf32, #tpu.memory_space<vmem>> -> memref<1x1x128x64xf32, #tpu.memory_space<vmem>>
      %dma_start3A_580 = tpu.memref_squeeze %dma_start3A_579 : memref<1x1x128x64xf32, #tpu.memory_space<vmem>> -> memref<128x64xf32, #tpu.memory_space<vmem>>
      %dma_start3A_581 = arith.constant 0 : i32
      %dma_start3A_582 = tpu.memref_slice %arg5[%add3A_574, %dma_start3A_581] : memref<200x128xi32, #tpu.memory_space<vmem>> -> memref<1x128xi32, #tpu.memory_space<vmem>>
      %dma_start3A_583 = tpu.memref_squeeze %dma_start3A_582 : memref<1x128xi32, #tpu.memory_space<vmem>> -> memref<128xi32, #tpu.memory_space<vmem>>
      %dma_start3A_584 = arith.constant 0 : i32
      %dma_start3A_585 = arith.constant 0 : i32
      %dma_start3A_586 = tpu.memref_slice %arg3[%dma_start3A_584, %dma_start3A_585] : memref<1000000x64xf32, #tpu.memory_space<hbm>> -> memref<1000000x64xf32, #tpu.memory_space<hbm>>
      tpu.enqueue_indirect_dma source(%dma_start3A_586 : memref<1000000x64xf32, #tpu.memory_space<hbm>>) target(%dma_start3A_580 : memref<128x64xf32, #tpu.memory_space<vmem>>) offsets(%dma_start3A_583 : memref<128xi32, #tpu.memory_space<vmem>>) semaphore(%arg8 : memref<!tpu.dma_semaphore, #tpu.memory_space<semaphore_mem>>)
      %mul3A_587 = arith.constant 4 : i32
      %mul3A_588 = arith.muli %add3A_554, %mul3A_587 : i32
      %add3A_589 = arith.constant 2 : i32
      %add3A_590 = arith.addi %mul3A_588, %add3A_589 : i32
      %dma_start3A_591 = arith.constant 1 : i32
      %dma_start3A_592 = arith.constant 2 : i32
      %dma_start3A_593 = arith.constant 0 : i32
      %dma_start3A_594 = arith.constant 0 : i32
      %dma_start3A_595 = tpu.memref_slice %arg6[%dma_start3A_591, %dma_start3A_592, %dma_start3A_593, %dma_start3A_594] : memref<2x4x128x64xf32, #tpu.memory_space<vmem>> -> memref<1x1x128x64xf32, #tpu.memory_space<vmem>>
      %dma_start3A_596 = tpu.memref_squeeze %dma_start3A_595 : memref<1x1x128x64xf32, #tpu.memory_space<vmem>> -> memref<128x64xf32, #tpu.memory_space<vmem>>
      %dma_start3A_597 = arith.constant 0 : i32
      %dma_start3A_598 = tpu.memref_slice %arg5[%add3A_590, %dma_start3A_597] : memref<200x128xi32, #tpu.memory_space<vmem>> -> memref<1x128xi32, #tpu.memory_space<vmem>>
      %dma_start3A_599 = tpu.memref_squeeze %dma_start3A_598 : memref<1x128xi32, #tpu.memory_space<vmem>> -> memref<128xi32, #tpu.memory_space<vmem>>
      %dma_start3A_600 = arith.constant 0 : i32
      %dma_start3A_601 = arith.constant 0 : i32
      %dma_start3A_602 = tpu.memref_slice %arg3[%dma_start3A_600, %dma_start3A_601] : memref<1000000x64xf32, #tpu.memory_space<hbm>> -> memref<1000000x64xf32, #tpu.memory_space<hbm>>
      tpu.enqueue_indirect_dma source(%dma_start3A_602 : memref<1000000x64xf32, #tpu.memory_space<hbm>>) target(%dma_start3A_596 : memref<128x64xf32, #tpu.memory_space<vmem>>) offsets(%dma_start3A_599 : memref<128xi32, #tpu.memory_space<vmem>>) semaphore(%arg8 : memref<!tpu.dma_semaphore, #tpu.memory_space<semaphore_mem>>)
      %mul3A_603 = arith.constant 4 : i32
      %mul3A_604 = arith.muli %add3A_554, %mul3A_603 : i32
      %add3A_605 = arith.constant 3 : i32
      %add3A_606 = arith.addi %mul3A_604, %add3A_605 : i32
      %dma_start3A_607 = arith.constant 1 : i32
      %dma_start3A_608 = arith.constant 3 : i32
      %dma_start3A_609 = arith.constant 0 : i32
      %dma_start3A_610 = arith.constant 0 : i32
      %dma_start3A_611 = tpu.memref_slice %arg6[%dma_start3A_607, %dma_start3A_608, %dma_start3A_609, %dma_start3A_610] : memref<2x4x128x64xf32, #tpu.memory_space<vmem>> -> memref<1x1x128x64xf32, #tpu.memory_space<vmem>>
      %dma_start3A_612 = tpu.memref_squeeze %dma_start3A_611 : memref<1x1x128x64xf32, #tpu.memory_space<vmem>> -> memref<128x64xf32, #tpu.memory_space<vmem>>
      %dma_start3A_613 = arith.constant 0 : i32
      %dma_start3A_614 = tpu.memref_slice %arg5[%add3A_606, %dma_start3A_613] : memref<200x128xi32, #tpu.memory_space<vmem>> -> memref<1x128xi32, #tpu.memory_space<vmem>>
      %dma_start3A_615 = tpu.memref_squeeze %dma_start3A_614 : memref<1x128xi32, #tpu.memory_space<vmem>> -> memref<128xi32, #tpu.memory_space<vmem>>
      %dma_start3A_616 = arith.constant 0 : i32
      %dma_start3A_617 = arith.constant 0 : i32
      %dma_start3A_618 = tpu.memref_slice %arg3[%dma_start3A_616, %dma_start3A_617] : memref<1000000x64xf32, #tpu.memory_space<hbm>> -> memref<1000000x64xf32, #tpu.memory_space<hbm>>
      tpu.enqueue_indirect_dma source(%dma_start3A_618 : memref<1000000x64xf32, #tpu.memory_space<hbm>>) target(%dma_start3A_612 : memref<128x64xf32, #tpu.memory_space<vmem>>) offsets(%dma_start3A_615 : memref<128xi32, #tpu.memory_space<vmem>>) semaphore(%arg8 : memref<!tpu.dma_semaphore, #tpu.memory_space<semaphore_mem>>)
    }
    %scan3A_110 = arith.constant 24 : i32
    %dma_wait3A = arith.constant 192 : i32
    %dma_wait3A_111 = arith.constant 0 : i32
    %dma_wait3A_112 = arith.constant 0 : i32
    %dma_wait3A_113 = arith.constant 0 : i32
    %dma_wait3A_114 = arith.constant 0 : i32
    %dma_wait3A_115 = tpu.memref_slice %arg6[%dma_wait3A_111, %dma_wait3A_112, %dma_wait3A_113, %dma_wait3A_114] : memref<2x4x128x64xf32, #tpu.memory_space<vmem>> -> memref<1x1x128x64xf32, #tpu.memory_space<vmem>>
    %dma_wait3A_116 = tpu.memref_squeeze %dma_wait3A_115 : memref<1x1x128x64xf32, #tpu.memory_space<vmem>> -> memref<128x64xf32, #tpu.memory_space<vmem>>
    %dma_wait3A_117 = arith.constant 0 : i32
    %dma_wait3A_118 = tpu.memref_slice %arg5[%dma_wait3A, %dma_wait3A_117] : memref<200x128xi32, #tpu.memory_space<vmem>> -> memref<1x128xi32, #tpu.memory_space<vmem>>
    %dma_wait3A_119 = tpu.memref_squeeze %dma_wait3A_118 : memref<1x128xi32, #tpu.memory_space<vmem>> -> memref<128xi32, #tpu.memory_space<vmem>>
    %dma_wait3A_120 = arith.constant 0 : i32
    %dma_wait3A_121 = arith.constant 0 : i32
    %dma_wait3A_122 = tpu.memref_slice %arg3[%dma_wait3A_120, %dma_wait3A_121] : memref<1000000x64xf32, #tpu.memory_space<hbm>> -> memref<1000000x64xf32, #tpu.memory_space<hbm>>
    tpu.wait_indirect_dma semaphore(%arg7 : memref<!tpu.dma_semaphore, #tpu.memory_space<semaphore_mem>>) src(%dma_wait3A_122 : memref<1000000x64xf32, #tpu.memory_space<hbm>>) dst(%dma_wait3A_116 : memref<128x64xf32, #tpu.memory_space<vmem>>)
    %dma_wait3A_123 = arith.constant 193 : i32
    %dma_wait3A_124 = arith.constant 0 : i32
    %dma_wait3A_125 = arith.constant 1 : i32
    %dma_wait3A_126 = arith.constant 0 : i32
    %dma_wait3A_127 = arith.constant 0 : i32
    %dma_wait3A_128 = tpu.memref_slice %arg6[%dma_wait3A_124, %dma_wait3A_125, %dma_wait3A_126, %dma_wait3A_127] : memref<2x4x128x64xf32, #tpu.memory_space<vmem>> -> memref<1x1x128x64xf32, #tpu.memory_space<vmem>>
    %dma_wait3A_129 = tpu.memref_squeeze %dma_wait3A_128 : memref<1x1x128x64xf32, #tpu.memory_space<vmem>> -> memref<128x64xf32, #tpu.memory_space<vmem>>
    %dma_wait3A_130 = arith.constant 0 : i32
    %dma_wait3A_131 = tpu.memref_slice %arg5[%dma_wait3A_123, %dma_wait3A_130] : memref<200x128xi32, #tpu.memory_space<vmem>> -> memref<1x128xi32, #tpu.memory_space<vmem>>
    %dma_wait3A_132 = tpu.memref_squeeze %dma_wait3A_131 : memref<1x128xi32, #tpu.memory_space<vmem>> -> memref<128xi32, #tpu.memory_space<vmem>>
    %dma_wait3A_133 = arith.constant 0 : i32
    %dma_wait3A_134 = arith.constant 0 : i32
    %dma_wait3A_135 = tpu.memref_slice %arg3[%dma_wait3A_133, %dma_wait3A_134] : memref<1000000x64xf32, #tpu.memory_space<hbm>> -> memref<1000000x64xf32, #tpu.memory_space<hbm>>
    tpu.wait_indirect_dma semaphore(%arg7 : memref<!tpu.dma_semaphore, #tpu.memory_space<semaphore_mem>>) src(%dma_wait3A_135 : memref<1000000x64xf32, #tpu.memory_space<hbm>>) dst(%dma_wait3A_129 : memref<128x64xf32, #tpu.memory_space<vmem>>)
    %dma_wait3A_136 = arith.constant 194 : i32
    %dma_wait3A_137 = arith.constant 0 : i32
    %dma_wait3A_138 = arith.constant 2 : i32
    %dma_wait3A_139 = arith.constant 0 : i32
    %dma_wait3A_140 = arith.constant 0 : i32
    %dma_wait3A_141 = tpu.memref_slice %arg6[%dma_wait3A_137, %dma_wait3A_138, %dma_wait3A_139, %dma_wait3A_140] : memref<2x4x128x64xf32, #tpu.memory_space<vmem>> -> memref<1x1x128x64xf32, #tpu.memory_space<vmem>>
    %dma_wait3A_142 = tpu.memref_squeeze %dma_wait3A_141 : memref<1x1x128x64xf32, #tpu.memory_space<vmem>> -> memref<128x64xf32, #tpu.memory_space<vmem>>
    %dma_wait3A_143 = arith.constant 0 : i32
    %dma_wait3A_144 = tpu.memref_slice %arg5[%dma_wait3A_136, %dma_wait3A_143] : memref<200x128xi32, #tpu.memory_space<vmem>> -> memref<1x128xi32, #tpu.memory_space<vmem>>
    %dma_wait3A_145 = tpu.memref_squeeze %dma_wait3A_144 : memref<1x128xi32, #tpu.memory_space<vmem>> -> memref<128xi32, #tpu.memory_space<vmem>>
    %dma_wait3A_146 = arith.constant 0 : i32
    %dma_wait3A_147 = arith.constant 0 : i32
    %dma_wait3A_148 = tpu.memref_slice %arg3[%dma_wait3A_146, %dma_wait3A_147] : memref<1000000x64xf32, #tpu.memory_space<hbm>> -> memref<1000000x64xf32, #tpu.memory_space<hbm>>
    tpu.wait_indirect_dma semaphore(%arg7 : memref<!tpu.dma_semaphore, #tpu.memory_space<semaphore_mem>>) src(%dma_wait3A_148 : memref<1000000x64xf32, #tpu.memory_space<hbm>>) dst(%dma_wait3A_142 : memref<128x64xf32, #tpu.memory_space<vmem>>)
    %dma_wait3A_149 = arith.constant 195 : i32
    %dma_wait3A_150 = arith.constant 0 : i32
    %dma_wait3A_151 = arith.constant 3 : i32
    %dma_wait3A_152 = arith.constant 0 : i32
    %dma_wait3A_153 = arith.constant 0 : i32
    %dma_wait3A_154 = tpu.memref_slice %arg6[%dma_wait3A_150, %dma_wait3A_151, %dma_wait3A_152, %dma_wait3A_153] : memref<2x4x128x64xf32, #tpu.memory_space<vmem>> -> memref<1x1x128x64xf32, #tpu.memory_space<vmem>>
    %dma_wait3A_155 = tpu.memref_squeeze %dma_wait3A_154 : memref<1x1x128x64xf32, #tpu.memory_space<vmem>> -> memref<128x64xf32, #tpu.memory_space<vmem>>
    %dma_wait3A_156 = arith.constant 0 : i32
    %dma_wait3A_157 = tpu.memref_slice %arg5[%dma_wait3A_149, %dma_wait3A_156] : memref<200x128xi32, #tpu.memory_space<vmem>> -> memref<1x128xi32, #tpu.memory_space<vmem>>
    %dma_wait3A_158 = tpu.memref_squeeze %dma_wait3A_157 : memref<1x128xi32, #tpu.memory_space<vmem>> -> memref<128xi32, #tpu.memory_space<vmem>>
    %dma_wait3A_159 = arith.constant 0 : i32
    %dma_wait3A_160 = arith.constant 0 : i32
    %dma_wait3A_161 = tpu.memref_slice %arg3[%dma_wait3A_159, %dma_wait3A_160] : memref<1000000x64xf32, #tpu.memory_space<hbm>> -> memref<1000000x64xf32, #tpu.memory_space<hbm>>
    tpu.wait_indirect_dma semaphore(%arg7 : memref<!tpu.dma_semaphore, #tpu.memory_space<semaphore_mem>>) src(%dma_wait3A_161 : memref<1000000x64xf32, #tpu.memory_space<hbm>>) dst(%dma_wait3A_155 : memref<128x64xf32, #tpu.memory_space<vmem>>)
    %dma_start3A_162 = arith.constant 0 : i32
    %dma_start3A_163 = arith.constant 0 : i32
    %dma_start3A_164 = arith.constant 0 : i32
    %dma_start3A_165 = arith.constant 0 : i32
    %dma_start3A_166 = tpu.memref_slice %arg6[%dma_start3A_162, %dma_start3A_163, %dma_start3A_164, %dma_start3A_165] : memref<2x4x128x64xf32, #tpu.memory_space<vmem>> -> memref<1x4x128x64xf32, #tpu.memory_space<vmem>>
    %dma_start3A_167 = tpu.memref_squeeze %dma_start3A_166 : memref<1x4x128x64xf32, #tpu.memory_space<vmem>> -> memref<4x128x64xf32, #tpu.memory_space<vmem>>
    %dma_start3A_168 = arith.constant 192 : i32
    %dma_start3A_169 = arith.constant 0 : i32
    %dma_start3A_170 = tpu.memref_slice %arg4[%dma_start3A_168, %mul3A_2, %dma_start3A_169] : memref<200x4096x64xf32, #tpu.memory_space<hbm>> -> memref<4x128x64xf32, #tpu.memory_space<hbm>>
    %dma_start3A_171 = arith.constant 192 : i32
    %dma_start3A_172 = arith.constant 0 : i32
    %dma_start3A_173 = tpu.memref_slice %arg4[%dma_start3A_171, %mul3A_2, %dma_start3A_172] : memref<200x4096x64xf32, #tpu.memory_space<hbm>> -> memref<4x128x64xf32, #tpu.memory_space<hbm>>
    %dma_start3A_174 = arith.constant 0 : i32
    %dma_start3A_175 = arith.constant 0 : i32
    %dma_start3A_176 = arith.constant 0 : i32
    %dma_start3A_177 = tpu.memref_slice %arg6[%dma_start3A_162, %dma_start3A_174, %dma_start3A_175, %dma_start3A_176] : memref<2x4x128x64xf32, #tpu.memory_space<vmem>> -> memref<1x4x128x64xf32, #tpu.memory_space<vmem>>
    %dma_start3A_178 = tpu.memref_squeeze %dma_start3A_177 : memref<1x4x128x64xf32, #tpu.memory_space<vmem>> -> memref<4x128x64xf32, #tpu.memory_space<vmem>>
    tpu.enqueue_dma source(%dma_start3A_178 : memref<4x128x64xf32, #tpu.memory_space<vmem>>) target(%dma_start3A_173 : memref<4x128x64xf32, #tpu.memory_space<hbm>>) target_semaphore(%arg9 : memref<!tpu.dma_semaphore, #tpu.memory_space<semaphore_mem>>)
    %dma_wait3A_179 = arith.constant 196 : i32
    %dma_wait3A_180 = arith.constant 1 : i32
    %dma_wait3A_181 = arith.constant 0 : i32
    %dma_wait3A_182 = arith.constant 0 : i32
    %dma_wait3A_183 = arith.constant 0 : i32
    %dma_wait3A_184 = tpu.memref_slice %arg6[%dma_wait3A_180, %dma_wait3A_181, %dma_wait3A_182, %dma_wait3A_183] : memref<2x4x128x64xf32, #tpu.memory_space<vmem>> -> memref<1x1x128x64xf32, #tpu.memory_space<vmem>>
    %dma_wait3A_185 = tpu.memref_squeeze %dma_wait3A_184 : memref<1x1x128x64xf32, #tpu.memory_space<vmem>> -> memref<128x64xf32, #tpu.memory_space<vmem>>
    %dma_wait3A_186 = arith.constant 0 : i32
    %dma_wait3A_187 = tpu.memref_slice %arg5[%dma_wait3A_179, %dma_wait3A_186] : memref<200x128xi32, #tpu.memory_space<vmem>> -> memref<1x128xi32, #tpu.memory_space<vmem>>
    %dma_wait3A_188 = tpu.memref_squeeze %dma_wait3A_187 : memref<1x128xi32, #tpu.memory_space<vmem>> -> memref<128xi32, #tpu.memory_space<vmem>>
    %dma_wait3A_189 = arith.constant 0 : i32
    %dma_wait3A_190 = arith.constant 0 : i32
    %dma_wait3A_191 = tpu.memref_slice %arg3[%dma_wait3A_189, %dma_wait3A_190] : memref<1000000x64xf32, #tpu.memory_space<hbm>> -> memref<1000000x64xf32, #tpu.memory_space<hbm>>
    tpu.wait_indirect_dma semaphore(%arg8 : memref<!tpu.dma_semaphore, #tpu.memory_space<semaphore_mem>>) src(%dma_wait3A_191 : memref<1000000x64xf32, #tpu.memory_space<hbm>>) dst(%dma_wait3A_185 : memref<128x64xf32, #tpu.memory_space<vmem>>)
    %dma_wait3A_192 = arith.constant 197 : i32
    %dma_wait3A_193 = arith.constant 1 : i32
    %dma_wait3A_194 = arith.constant 1 : i32
    %dma_wait3A_195 = arith.constant 0 : i32
    %dma_wait3A_196 = arith.constant 0 : i32
    %dma_wait3A_197 = tpu.memref_slice %arg6[%dma_wait3A_193, %dma_wait3A_194, %dma_wait3A_195, %dma_wait3A_196] : memref<2x4x128x64xf32, #tpu.memory_space<vmem>> -> memref<1x1x128x64xf32, #tpu.memory_space<vmem>>
    %dma_wait3A_198 = tpu.memref_squeeze %dma_wait3A_197 : memref<1x1x128x64xf32, #tpu.memory_space<vmem>> -> memref<128x64xf32, #tpu.memory_space<vmem>>
    %dma_wait3A_199 = arith.constant 0 : i32
    %dma_wait3A_200 = tpu.memref_slice %arg5[%dma_wait3A_192, %dma_wait3A_199] : memref<200x128xi32, #tpu.memory_space<vmem>> -> memref<1x128xi32, #tpu.memory_space<vmem>>
    %dma_wait3A_201 = tpu.memref_squeeze %dma_wait3A_200 : memref<1x128xi32, #tpu.memory_space<vmem>> -> memref<128xi32, #tpu.memory_space<vmem>>
    %dma_wait3A_202 = arith.constant 0 : i32
    %dma_wait3A_203 = arith.constant 0 : i32
    %dma_wait3A_204 = tpu.memref_slice %arg3[%dma_wait3A_202, %dma_wait3A_203] : memref<1000000x64xf32, #tpu.memory_space<hbm>> -> memref<1000000x64xf32, #tpu.memory_space<hbm>>
    tpu.wait_indirect_dma semaphore(%arg8 : memref<!tpu.dma_semaphore, #tpu.memory_space<semaphore_mem>>) src(%dma_wait3A_204 : memref<1000000x64xf32, #tpu.memory_space<hbm>>) dst(%dma_wait3A_198 : memref<128x64xf32, #tpu.memory_space<vmem>>)
    %dma_wait3A_205 = arith.constant 198 : i32
    %dma_wait3A_206 = arith.constant 1 : i32
    %dma_wait3A_207 = arith.constant 2 : i32
    %dma_wait3A_208 = arith.constant 0 : i32
    %dma_wait3A_209 = arith.constant 0 : i32
    %dma_wait3A_210 = tpu.memref_slice %arg6[%dma_wait3A_206, %dma_wait3A_207, %dma_wait3A_208, %dma_wait3A_209] : memref<2x4x128x64xf32, #tpu.memory_space<vmem>> -> memref<1x1x128x64xf32, #tpu.memory_space<vmem>>
    %dma_wait3A_211 = tpu.memref_squeeze %dma_wait3A_210 : memref<1x1x128x64xf32, #tpu.memory_space<vmem>> -> memref<128x64xf32, #tpu.memory_space<vmem>>
    %dma_wait3A_212 = arith.constant 0 : i32
    %dma_wait3A_213 = tpu.memref_slice %arg5[%dma_wait3A_205, %dma_wait3A_212] : memref<200x128xi32, #tpu.memory_space<vmem>> -> memref<1x128xi32, #tpu.memory_space<vmem>>
    %dma_wait3A_214 = tpu.memref_squeeze %dma_wait3A_213 : memref<1x128xi32, #tpu.memory_space<vmem>> -> memref<128xi32, #tpu.memory_space<vmem>>
    %dma_wait3A_215 = arith.constant 0 : i32
    %dma_wait3A_216 = arith.constant 0 : i32
    %dma_wait3A_217 = tpu.memref_slice %arg3[%dma_wait3A_215, %dma_wait3A_216] : memref<1000000x64xf32, #tpu.memory_space<hbm>> -> memref<1000000x64xf32, #tpu.memory_space<hbm>>
    tpu.wait_indirect_dma semaphore(%arg8 : memref<!tpu.dma_semaphore, #tpu.memory_space<semaphore_mem>>) src(%dma_wait3A_217 : memref<1000000x64xf32, #tpu.memory_space<hbm>>) dst(%dma_wait3A_211 : memref<128x64xf32, #tpu.memory_space<vmem>>)
    %dma_wait3A_218 = arith.constant 199 : i32
    %dma_wait3A_219 = arith.constant 1 : i32
    %dma_wait3A_220 = arith.constant 3 : i32
    %dma_wait3A_221 = arith.constant 0 : i32
    %dma_wait3A_222 = arith.constant 0 : i32
    %dma_wait3A_223 = tpu.memref_slice %arg6[%dma_wait3A_219, %dma_wait3A_220, %dma_wait3A_221, %dma_wait3A_222] : memref<2x4x128x64xf32, #tpu.memory_space<vmem>> -> memref<1x1x128x64xf32, #tpu.memory_space<vmem>>
    %dma_wait3A_224 = tpu.memref_squeeze %dma_wait3A_223 : memref<1x1x128x64xf32, #tpu.memory_space<vmem>> -> memref<128x64xf32, #tpu.memory_space<vmem>>
    %dma_wait3A_225 = arith.constant 0 : i32
    %dma_wait3A_226 = tpu.memref_slice %arg5[%dma_wait3A_218, %dma_wait3A_225] : memref<200x128xi32, #tpu.memory_space<vmem>> -> memref<1x128xi32, #tpu.memory_space<vmem>>
    %dma_wait3A_227 = tpu.memref_squeeze %dma_wait3A_226 : memref<1x128xi32, #tpu.memory_space<vmem>> -> memref<128xi32, #tpu.memory_space<vmem>>
    %dma_wait3A_228 = arith.constant 0 : i32
    %dma_wait3A_229 = arith.constant 0 : i32
    %dma_wait3A_230 = tpu.memref_slice %arg3[%dma_wait3A_228, %dma_wait3A_229] : memref<1000000x64xf32, #tpu.memory_space<hbm>> -> memref<1000000x64xf32, #tpu.memory_space<hbm>>
    tpu.wait_indirect_dma semaphore(%arg8 : memref<!tpu.dma_semaphore, #tpu.memory_space<semaphore_mem>>) src(%dma_wait3A_230 : memref<1000000x64xf32, #tpu.memory_space<hbm>>) dst(%dma_wait3A_224 : memref<128x64xf32, #tpu.memory_space<vmem>>)
    %dma_start3A_231 = arith.constant 1 : i32
    %dma_start3A_232 = arith.constant 0 : i32
    %dma_start3A_233 = arith.constant 0 : i32
    %dma_start3A_234 = arith.constant 0 : i32
    %dma_start3A_235 = tpu.memref_slice %arg6[%dma_start3A_231, %dma_start3A_232, %dma_start3A_233, %dma_start3A_234] : memref<2x4x128x64xf32, #tpu.memory_space<vmem>> -> memref<1x4x128x64xf32, #tpu.memory_space<vmem>>
    %dma_start3A_236 = tpu.memref_squeeze %dma_start3A_235 : memref<1x4x128x64xf32, #tpu.memory_space<vmem>> -> memref<4x128x64xf32, #tpu.memory_space<vmem>>
    %dma_start3A_237 = arith.constant 196 : i32
    %dma_start3A_238 = arith.constant 0 : i32
    %dma_start3A_239 = tpu.memref_slice %arg4[%dma_start3A_237, %mul3A_2, %dma_start3A_238] : memref<200x4096x64xf32, #tpu.memory_space<hbm>> -> memref<4x128x64xf32, #tpu.memory_space<hbm>>
    %dma_start3A_240 = arith.constant 196 : i32
    %dma_start3A_241 = arith.constant 0 : i32
    %dma_start3A_242 = tpu.memref_slice %arg4[%dma_start3A_240, %mul3A_2, %dma_start3A_241] : memref<200x4096x64xf32, #tpu.memory_space<hbm>> -> memref<4x128x64xf32, #tpu.memory_space<hbm>>
    %dma_start3A_243 = arith.constant 0 : i32
    %dma_start3A_244 = arith.constant 0 : i32
    %dma_start3A_245 = arith.constant 0 : i32
    %dma_start3A_246 = tpu.memref_slice %arg6[%dma_start3A_231, %dma_start3A_243, %dma_start3A_244, %dma_start3A_245] : memref<2x4x128x64xf32, #tpu.memory_space<vmem>> -> memref<1x4x128x64xf32, #tpu.memory_space<vmem>>
    %dma_start3A_247 = tpu.memref_squeeze %dma_start3A_246 : memref<1x4x128x64xf32, #tpu.memory_space<vmem>> -> memref<4x128x64xf32, #tpu.memory_space<vmem>>
    tpu.enqueue_dma source(%dma_start3A_247 : memref<4x128x64xf32, #tpu.memory_space<vmem>>) target(%dma_start3A_242 : memref<4x128x64xf32, #tpu.memory_space<hbm>>) target_semaphore(%arg10 : memref<!tpu.dma_semaphore, #tpu.memory_space<semaphore_mem>>)
    %dma_wait3A_248 = arith.constant 0 : i32
    %dma_wait3A_249 = arith.constant 0 : i32
    %dma_wait3A_250 = arith.constant 0 : i32
    %dma_wait3A_251 = arith.constant 0 : i32
    %dma_wait3A_252 = tpu.memref_slice %arg6[%dma_wait3A_248, %dma_wait3A_249, %dma_wait3A_250, %dma_wait3A_251] : memref<2x4x128x64xf32, #tpu.memory_space<vmem>> -> memref<1x4x128x64xf32, #tpu.memory_space<vmem>>
    %dma_wait3A_253 = tpu.memref_squeeze %dma_wait3A_252 : memref<1x4x128x64xf32, #tpu.memory_space<vmem>> -> memref<4x128x64xf32, #tpu.memory_space<vmem>>
    %dma_wait3A_254 = arith.constant 192 : i32
    %dma_wait3A_255 = arith.constant 0 : i32
    %dma_wait3A_256 = tpu.memref_slice %arg4[%dma_wait3A_254, %mul3A_2, %dma_wait3A_255] : memref<200x4096x64xf32, #tpu.memory_space<hbm>> -> memref<4x128x64xf32, #tpu.memory_space<hbm>>
    %dma_wait3A_257 = arith.constant 192 : i32
    %dma_wait3A_258 = arith.constant 0 : i32
    %dma_wait3A_259 = tpu.memref_slice %arg4[%dma_wait3A_257, %mul3A_2, %dma_wait3A_258] : memref<200x4096x64xf32, #tpu.memory_space<hbm>> -> memref<4x128x64xf32, #tpu.memory_space<hbm>>
    %dma_wait3A_260 = arith.constant 0 : i32
    %dma_wait3A_261 = arith.constant 0 : i32
    %dma_wait3A_262 = arith.constant 0 : i32
    %dma_wait3A_263 = tpu.memref_slice %arg6[%dma_wait3A_248, %dma_wait3A_260, %dma_wait3A_261, %dma_wait3A_262] : memref<2x4x128x64xf32, #tpu.memory_space<vmem>> -> memref<1x4x128x64xf32, #tpu.memory_space<vmem>>
    %dma_wait3A_264 = tpu.memref_squeeze %dma_wait3A_263 : memref<1x4x128x64xf32, #tpu.memory_space<vmem>> -> memref<4x128x64xf32, #tpu.memory_space<vmem>>
    tpu.wait_dma2 semaphore(%arg9 : memref<!tpu.dma_semaphore, #tpu.memory_space<semaphore_mem>>) src(%dma_wait3A_264 : memref<4x128x64xf32, #tpu.memory_space<vmem>>) dst(%dma_wait3A_259 : memref<4x128x64xf32, #tpu.memory_space<hbm>>)
    %dma_wait3A_265 = arith.constant 1 : i32
    %dma_wait3A_266 = arith.constant 0 : i32
    %dma_wait3A_267 = arith.constant 0 : i32
    %dma_wait3A_268 = arith.constant 0 : i32
    %dma_wait3A_269 = tpu.memref_slice %arg6[%dma_wait3A_265, %dma_wait3A_266, %dma_wait3A_267, %dma_wait3A_268] : memref<2x4x128x64xf32, #tpu.memory_space<vmem>> -> memref<1x4x128x64xf32, #tpu.memory_space<vmem>>
    %dma_wait3A_270 = tpu.memref_squeeze %dma_wait3A_269 : memref<1x4x128x64xf32, #tpu.memory_space<vmem>> -> memref<4x128x64xf32, #tpu.memory_space<vmem>>
    %dma_wait3A_271 = arith.constant 196 : i32
    %dma_wait3A_272 = arith.constant 0 : i32
    %dma_wait3A_273 = tpu.memref_slice %arg4[%dma_wait3A_271, %mul3A_2, %dma_wait3A_272] : memref<200x4096x64xf32, #tpu.memory_space<hbm>> -> memref<4x128x64xf32, #tpu.memory_space<hbm>>
    %dma_wait3A_274 = arith.constant 196 : i32
    %dma_wait3A_275 = arith.constant 0 : i32
    %dma_wait3A_276 = tpu.memref_slice %arg4[%dma_wait3A_274, %mul3A_2, %dma_wait3A_275] : memref<200x4096x64xf32, #tpu.memory_space<hbm>> -> memref<4x128x64xf32, #tpu.memory_space<hbm>>
    %dma_wait3A_277 = arith.constant 0 : i32
    %dma_wait3A_278 = arith.constant 0 : i32
    %dma_wait3A_279 = arith.constant 0 : i32
    %dma_wait3A_280 = tpu.memref_slice %arg6[%dma_wait3A_265, %dma_wait3A_277, %dma_wait3A_278, %dma_wait3A_279] : memref<2x4x128x64xf32, #tpu.memory_space<vmem>> -> memref<1x4x128x64xf32, #tpu.memory_space<vmem>>
    %dma_wait3A_281 = tpu.memref_squeeze %dma_wait3A_280 : memref<1x4x128x64xf32, #tpu.memory_space<vmem>> -> memref<4x128x64xf32, #tpu.memory_space<vmem>>
    tpu.wait_dma2 semaphore(%arg10 : memref<!tpu.dma_semaphore, #tpu.memory_space<semaphore_mem>>) src(%dma_wait3A_281 : memref<4x128x64xf32, #tpu.memory_space<vmem>>) dst(%dma_wait3A_276 : memref<4x128x64xf32, #tpu.memory_space<hbm>>)
    return
  }
}

</mosaic_0001>

<sc_bundles>
// kernel: kernel.3.cloned.1.call-start
scs
__scs_entry_jumppad:
0x0: {  	(pc) =	sbr.rel $0x88, $3  }
0x1: {  	(tag) =	ssettag $0x0;
	lr =	simm.s32 $0x1  }
0x2: {  	[smem:$0x3F9F] =	sst lr;
	_ =	strace $0xD0000000  }
0x3: {  	_ = 	snop  }
0x4: {  	_ = 	snop  }
0x5: {  	_ = 	snop  }
0x6: {  	_ = 	snop  }
0x7: {  	_ = 	snop  }
__scs_overlays_trampoline_lowered:
0x8: {  	[smem:$0x3FAE] =	sst s0  }
0x9: {  	[smem:$0x3FAF] =	sst s1  }
0xa: {  	[smem:$0x3FB0] =	sst s2  }
0xb: {  	[smem:$0x3FB1] =	sst s3  }
0xc: {  	[smem:$0x3FB2] =	sst s4  }
0xd: {  	[smem:$0x3FB3] =	sst s5  }
0xe: {  	[smem:$0x3FB4] =	sst s6  }
0xf: {  	[smem:$0x3FB5] =	sst s7  }
0x10: {  	[smem:$0x3FB6] =	sst s8  }
0x11: {  	[smem:$0x3FB7] =	sst s9;
	s0 =	simm.s32 @!p0 $0x0  }
0x12: {  	s1 =	sld [smem:$0x3F9D];
	s0 =	simm.s32 @p0 $0x1  }
0x13: {  	[smem:$0x3FB8] =	sst s0;
	s0 =	simm.s32 @!p1 $0x0  }
0x14: {  	s2 =	sld [smem:$0x3F9C];
	s0 =	simm.s32 @p1 $0x1  }
0x15: {  	[smem:$0x3FB9] =	sst s0;
	s0 =	simm.s32 @!p2 $0x0  }
0x16: {  	s3 =	sld [smem:$0x3FDB];
	s0 =	simm.s32 @p2 $0x1  }
0x17: {  	s4 =	simm.s32 $0x1BF5;
	[smem:$0x3FBB] =	sst s0  }
0x18: {  	s0 =	sld [smem:$0x3F9E];
	_ =	swait.ge [sflag:s4], $0x0  }
0x19: {  	s7 =	sld [smem:$0x3F9F]  }
0x1a: {  	s8 =	sadd.s32 $0xFFFFE003, lr  }
0x1b: {  	s9 =	sadd.s32 $0xFFFFFEF7, lr;
	s5 =	simm.s32 $0xFFFFFFFF;
	p2 =	slt.u32 s8, $0xFFFFF086  }
0x1c: {  	p1 =	slt.u32 s9, $0xF7A;
	s5 =	simm.s32 @!p2 $0x0  }
0x1d: {  	s5 =	simm.s32 @p1 $0x1;
	p0 =	seq.s32 s7, s2  }
0x1e: {  	s7 =	smul.u32 @!p0 $0xF7A, s2;
	p2 =	seq.s32 @!p0 s5, $0x0  }
0x1f: {  	s9 =	smul.u32 $0xF7A, s1;
	s8 =	simm.s32 @!p0 $0x1BF5;
	p2 =	por !p2, p0  }
0x20: {  	[sflag:s8] =	ssyncset.s32 @!p0 $0xFFFFF086;
	s6 =	sadd.s32 @!p0 s3, s7;
	s7 =	simm.s32 @!p0 $0x108  }
0x21: {  	s3 =	sadd.s32 s3, s9;
	s6 =	sadd.s32 @!p0 $0x88, s6;
	s7 =	simm.s32 @p2 $0x1082  }
0x22: {  	[simem:s7], [sflag:s8] =	dma.local @!p0 [hbm:s6], $0xF7A  }
0x23: {  	s9 =	sor.u32 $0xD0000000, s2;
	s6 =	simm.s32 $0x108;
	_ =	swait.ge @!p0 [sflag:s8], $0x0  }
0x24: {  	s3 =	sadd.s32 $0x88, s3;
	s6 =	simm.s32 @!p1 $0x1082;
	[sflag:s4] =	ssyncset.s32 $0xFFFFF086  }
0x25: {  	[simem:s6], [sflag:s4] =	dma.local [hbm:s3], $0xF7A  }
0x26: {  	[smem:$0x3F9F] =	sst s1;
	(tag) =	ssettag s2;
	_ =	strace s9  }
0x27: {  	s1 =	sld [smem:$0x3FAF]  }
0x28: {  	s2 =	sld [smem:$0x3FB0]  }
0x29: {  	s4 =	sld [smem:$0x3FB2]  }
0x2a: {  	p0 =	seq.s32 s5, $0x0;
	s5 =	sld [smem:$0x3FB3]  }
0x2b: {  	s6 =	sld [smem:$0x3FB4]  }
0x2c: {  	s7 =	sld [smem:$0x3FB5]  }
0x2d: {  	s3 =	simm.s32 $0x108;
	s8 =	sld [smem:$0x3FB6]  }
0x2e: {  	s3 =	simm.s32 @!p0 $0x1082;
	s9 =	sld [smem:$0x3FB7]  }
0x2f: {  	lr =	sadd.s32 s0, s3;
	s0 =	sld [smem:$0x3FAE]  }
0x30: {  	s3 =	sld [smem:$0x3FB1]  }
0x31: {  	[smem:$0x3FBA] =	sst s10  }
0x32: {  	s10 =	sld [smem:$0x3FB8];
	_ =	sdelay $0x3  }
0x33: {  	p0 =	seq.s32 s10, $0x1;
	s10 =	sld [smem:$0x3FBA];
	_ =	sdelay $0x3  }
0x34: {  	[smem:$0x3FBA] =	sst s10  }
0x35: {  	s10 =	sld [smem:$0x3FB9];
	_ =	sdelay $0x3  }
0x36: {  	p1 =	seq.s32 s10, $0x1;
	s10 =	sld [smem:$0x3FBA];
	_ =	sdelay $0x3  }
0x37: {  	[smem:$0x3FBA] =	sst s10  }
0x38: {  	s10 =	sld [smem:$0x3FBB]  }
0x39: {  	_ = 	snop;
	(pc) =	sbr.ind lr, $3  }
0x3a: {  	_ = 	snop  }
0x3b: {  	_ = 	snop  }
0x3c: {  	p2 =	seq.s32 s10, $0x1;
	s10 =	sld [smem:$0x3FBA]  }
0x3d: {  	_ =	shalt  }
0x3e: {  	_ =	shalt  }
0x3f: {  	_ =	shalt  }
0x40: {  	_ =	shalt  }
0x41: {  	_ =	shalt  }
0x42: {  	_ =	shalt  }
0x43: {  	_ =	shalt  }
0x44: {  	_ =	shalt  }
0x45: {  	_ =	shalt  }
0x46: {  	_ =	shalt  }
0x47: {  	_ =	shalt  }
0x48: {  	_ =	shalt  }
0x49: {  	_ =	shalt  }
0x4a: {  	_ =	shalt  }
0x4b: {  	_ =	shalt  }
0x4c: {  	_ =	shalt  }
0x4d: {  	_ =	shalt  }
0x4e: {  	_ =	shalt  }
0x4f: {  	_ =	shalt  }
0x50: {  	_ =	shalt  }
0x51: {  	_ =	shalt  }
0x52: {  	_ =	shalt  }
0x53: {  	_ =	shalt  }
0x54: {  	_ =	shalt  }
0x55: {  	_ =	shalt  }
0x56: {  	_ =	shalt  }
0x57: {  	_ =	shalt  }
0x58: {  	_ =	shalt  }
0x59: {  	_ =	shalt  }
0x5a: {  	_ =	shalt  }
0x5b: {  	_ =	shalt  }
0x5c: {  	_ =	shalt  }
0x5d: {  	_ =	shalt  }
0x5e: {  	_ =	shalt  }
0x5f: {  	_ =	shalt  }
0x60: {  	_ =	shalt  }
0x61: {  	_ =	shalt  }
0x62: {  	_ =	shalt  }
0x63: {  	_ =	shalt  }
0x64: {  	_ =	shalt  }
0x65: {  	_ =	shalt  }
0x66: {  	_ =	shalt  }
0x67: {  	_ =	shalt  }
0x68: {  	_ =	shalt  }
0x69: {  	_ =	shalt  }
0x6a: {  	_ =	shalt  }
0x6b: {  	_ =	shalt  }
0x6c: {  	_ =	shalt  }
0x6d: {  	_ =	shalt  }
0x6e: {  	_ =	shalt  }
0x6f: {  	_ =	shalt  }
0x70: {  	_ =	shalt  }
0x71: {  	_ =	shalt  }
0x72: {  	_ =	shalt  }
0x73: {  	_ =	shalt  }
0x74: {  	_ =	shalt  }
0x75: {  	_ =	shalt  }
0x76: {  	_ =	shalt  }
0x77: {  	_ =	shalt  }
0x78: {  	_ =	shalt  }
0x79: {  	_ =	shalt  }
0x7a: {  	_ =	shalt  }
0x7b: {  	_ =	shalt  }
0x7c: {  	_ =	shalt  }
0x7d: {  	_ =	shalt  }
0x7e: {  	_ =	shalt  }
0x7f: {  	_ =	shalt  }
0x80: {  	_ =	shalt  }
0x81: {  	_ =	shalt  }
0x82: {  	_ =	shalt  }
0x83: {  	_ =	shalt  }
0x84: {  	_ =	shalt  }
0x85: {  	_ =	shalt  }
0x86: {  	_ =	shalt  }
0x87: {  	_ =	shalt  }
.Lfunc_end0:
.L_simem_size_0:
called_computation.1_lowered:
.L_overlay_start_0:
0x88: {  	s2 =	sld [smem:$0x3FD9]  }
0x89: {  	s3 =	sld [smem:$0x3FFE];
	_ =	sdelay $0x1  }
0x8a: {  	s1 =	srdreg.scid  }
0x8b: {  	s0 =	sand.u32 $0x1, s1  }
0x8c: {  	s17 =	sshll.u32 s0, $0xA;
	s2 =	sadd.s32 s3, s2  }
0x8d: {  	s2 =	sadd.s32 s2, s17  }
0x8e: {  	[smem:$0x3FC6] =	sst s2  }
0x8f: {  	_ = 	snop  }
0x90: {  	s2 =	sld [smem:$0x3FD0];
	(tm) =	ssettm $0x1  }
0x91: {  	s18 =	sld [smem:$0x3FFB];
	_ =	sdelay $0x3  }
0x92: {  	_ =	strace s18  }
0x93: {  	s3 =	sld [smem:$0x3FFC];
	_ =	sdelay $0x3  }
0x94: {  	_ =	strace s3  }
0x95: {  	s3 =	sld [smem:$0x3FFD];
	_ =	sdelay $0x3  }
0x96: {  	_ =	strace s3  }
0x97: {  	_ =	strace $0x8FFFFFFF  }
0x98: {  	s19 =	sld [smem:$0x3FDB];
	_ =	sdelay $0x1  }
0x99: {  	s4 =	simm.s32 $_scs_section_size  }
0x9a: {  	s5 =	simm.s32 $_size__tile_overlayer_lowered;
	s6 =	simm.s32 $_tile_overlayer_lowered  }
0x9b: {  	s22 =	simm.s32 $0x1BFF;
	s21 =	sshll.u32 s6, $0x1;
	s3 =	sadd.s32 s4, s19  }
0x9c: {  	s7 =	simm.s32 $0x0;
	s20 =	sshll.u32 s5, $0x1;
	s5 =	sadd.s32 s21, s3  }
0x9d: {  	[timem:s7], [sflag:s22] =	dma.local [hbm:s5], s20  }
0x9e: {  	_ =	swait.ge [sflag:s22], s20  }
0x9f: {  	s4 =	ssub.s32 $0x0, s20;
	[sflag:s22] =	ssyncset.done $0x0  }
0xa0: {  	[sflag:s22] =	ssyncadd.s32 s4;
	_ =	sdelay $0x1  }
0xa1: {  	s23 =	simm.s32 $0x1B8B  }
0xa2: {  	_ =	swait.ge [sflag:s23], $0x1  }
0xa3: {  	[sflag:s23] =	ssyncset.done $0x0  }
0xa4: {  	s25 =	simm.s32 $0x1B8E;
	s24 =	sld [smem:$0x3FFE];
	[sflag:s23] =	ssyncadd.s32 $0xFFFFFFFF  }
0xa5: {  	s26 =	simm.s32 $execute0_lowered;
	[smem:$0x3FD2] =	sst s25  }
0xa6: {  	s5 =	sshll.u32 s26, $0x1;
	_ =	strace $0x80000046;
	[dreg:$0x1] =	wrdreg $0xFFFFFFFF  }
0xa7: {  	s28 =	simm.s32 $_size_execute0_lowered;
	s3 =	sadd.s32 s3, s5;
	[dreg:$0x0] =	wrdreg $0x0  }
0xa8: {  	s5 =	sshll.u32 s28, $0x1;
	[dreg:$0x2] =	wrdreg s3  }
0xa9: {  	[dreg:$0x3] =	wrdreg s5  }
0xaa: {  	[dreg:$0x4] =	wrdreg $0xC0  }
0xab: {  	_ =	task [dreg:s7], $0x5FFFF  }
0xac: {  	[dreg:$0x1] =	wrdreg $0xFFFFFFFF  }
0xad: {  	[dreg:$0x0] =	wrdreg $0x60  }
0xae: {  	[dreg:$0x2] =	wrdreg s24  }
0xaf: {  	[dreg:$0x3] =	wrdreg s2  }
0xb0: {  	[dreg:$0x4] =	wrdreg $0x9  }
0xb1: {  	_ =	task.clear_ibuf [dreg:s7], $0x5FFFF;
	_ =	strace $0x90000046  }
0xb2: {  	s29 =	simm.s32 $0x9;
	_ =	strace $0x80000048  }
0xb3: {  	_ =	swait.ge [sflag:s29], $0x1  }
0xb4: {  	[sflag:s29] =	ssyncadd.s32 $0xFFFFFFFF  }
0xb5: {  	_ =	strace $0x90000048  }
0xb6: {  	_ =	sfence  }
0xb7: {  	s30 =	sld [smem:$0x0];
	_ =	sdelay $0x2  }
0xb8: {  	s31 =	sshll.u32 s1, $0xD;
	s1 =	sshrl.u32 s1, $0x2  }
0xb9: {  	s3 =	sand.u32 $0x4000, s31;
	s1 =	sadd.s32 s1, s30  }
0xba: {  	s0 =	sor.u32 s3, s0;
	s1 =	sshll.u32 s1, $0x11  }
0xbb: {  	s0 =	sor.u32 s1, s0  }
0xbc: {  	s0 =	sadd.s32 $0x8F2B, s0  }
0xbd: {  	[sflag:s0] =	ssyncadd.remote.s32 $0x1  }
0xbe: {  	_ =	sfence.sel $0xFFFF  }
0xbf: {  	[dreg:$0x0] =	wrdreg $0xFFFFFFFF;
	(pc) =	sbr.abs _section_cstart, $3  }
0xc0: {  	[dreg:$0x1] =	wrdreg $0xFFFFFFFF  }
0xc1: {  	_ =	task.clear_ibuf [dreg:s7], $0x2FFFF;
	_ =	strace $0x9FFFFFFF  }
0xc2: {  	(tm) =	ssettm $0x7FFFFFFF  }
0xc3: {  	_ =	shalt  }
tec
execute0_lowered:
.L_overlay_start_1:
0x0: {  	(tag) =	ssettag $0x1  }
0x1: {  	s0 =	srdreg.scid;
	s1 =	rddreg [dreg:$0x0]  }
0x2: {  	s9 =	stileid.u32;
	s6 =	rddreg [dreg:$0x1];
	s2 =	simm.s32 $0x0  }
0x3: {  	s11 =	simm.s32 $0x5;
	s12 =	simm.s32 $0x6400;
	s13 =	simm.s32 $0x8400  }
0x4: {  	s15 =	simm.s32 $0xA400;
	s17 =	simm.s32 $0xC400;
	s19 =	simm.s32 $0xE400  }
0x5: {  	s20 =	simm.s32 $0x280;
	s21 =	simm.s32 $0x10400;
	s22 =	simm.s32 $0x300  }
0x6: {  	s28 =	simm.s32 $0x2000;
	s29 =	simm.s32 $0x40000;
	s30 =	simm.s32 $0x2  }
0x7: {  	s31 =	simm.s32 $0x3;
	s0 =	sand.u32 $0x1, s0;
	s3 =	sshll.u32 s9, $0x8  }
0x8: {  	[smem:$0x7FF] =	sst s2;
	s26 =	sshll.u32 s9, $0xB;
	s9 =	simm.s32 $0x80  }
0x9: {  	s4 =	sshll.u32 s0, $0x7;
	s5 =	ssub.s32 $0x2, s0;
	_ =	strace $0x80000047  }
0xa: {  	s0 =	sshll.u32 s0, $0xA;
	s4 =	sor.u32 s4, s3;
	s8 =	sshrl.u32 s5, $0x1  }
0xb: {  	s3 =	sshrl.u32 s4, $0x3;
	s23 =	ssub.s32 s5, s8;
	s24 =	sshll.u32 s4, $0x3  }
0xc: {  	s8 =	sadd.s32 s26, s6;
	s26 =	simm.s32 $0x1;
	s7 =	sadd.s32 s3, s1  }
0xd: {  	s3 =	sadd.s32 $0xF42E00, s1;
	s25 =	sadd.s32 s24, s6;
	s8 =	sadd.s32 s0, s8  }
0xe: {  	s24 =	simm.s32 $0x380;
	s1 =	simm.s32 $0x4;
	s0 =	simm.s32 $0x0  }
0xf: {  	s4 =	sadd.s32 $0xA00, s7;
	s5 =	sadd.s32 $0x600000, s25;
	s6 =	sadd.s32 $0x620000, s25  }
0x10: {  	s7 =	smax.u32 s23, $0x1;
	s23 =	simm.s32 $0x12400;
	s25 =	simm.s32 $0x14400  }
.LBB2_1:
0x11: {  	s10 =	simm.s32 $0x1000  }
0x12: {  	[tilespmem:s2], [sflag:$0x5] =	stream.strided.gather [hbm4b:s4+s9], $0x6400, s10, s9, $0x38;
	[tilespmem:$0x16400] =	vst v63  }
0x13: {  	_ =	swait.ge [sflag:s11], $0x6400  }
0x14: {  	[sflag:s11] =	ssyncset.done $0x0  }
0x15: {  	[sflag:s11] =	ssyncadd.s32 $0xFFFF9C00  }
0x16: {  	[tilespmem:s12], [sflag:$0x1] =	stream.indirect.gather [hbm4b:s3+s9], $0x40, s2, s9, $0xb8;
	[tilespmem:$0x16400] =	vst v63  }
0x17: {  	_ = 	snop  }
0x18: {  	[tilespmem:s13], [sflag:$0x1] =	stream.indirect.gather [hbm4b:s3+s9], $0x40, s9, s9, $0xb8;
	[tilespmem:$0x16400] =	vst v63  }
0x19: {  	s16 =	simm.s32 $0x100  }
0x1a: {  	[tilespmem:s15], [sflag:$0x1] =	stream.indirect.gather [hbm4b:s3+s9], $0x40, s16, s9, $0xb8;
	[tilespmem:$0x16400] =	vst v63  }
0x1b: {  	s18 =	simm.s32 $0x180  }
0x1c: {  	[tilespmem:s17], [sflag:$0x1] =	stream.indirect.gather [hbm4b:s3+s9], $0x40, s18, s9, $0xb8;
	[tilespmem:$0x16400] =	vst v63  }
0x1d: {  	s14 =	simm.s32 $0x200  }
0x1e: {  	[tilespmem:s19], [sflag:$0x2] =	stream.indirect.gather [hbm4b:s3+s9], $0x40, s14, s9, $0xb8;
	[tilespmem:$0x16400] =	vst v63  }
0x1f: {  	_ = 	snop  }
0x20: {  	[tilespmem:s21], [sflag:$0x2] =	stream.indirect.gather [hbm4b:s3+s9], $0x40, s20, s9, $0xb8;
	[tilespmem:$0x16400] =	vst v63  }
0x21: {  	_ = 	snop  }
0x22: {  	[tilespmem:s23], [sflag:$0x2] =	stream.indirect.gather [hbm4b:s3+s9], $0x40, s22, s9, $0xb8;
	[tilespmem:$0x16400] =	vst v63  }
0x23: {  	_ = 	snop  }
0x24: {  	[tilespmem:s25], [sflag:$0x2] =	stream.indirect.gather [hbm4b:s3+s9], $0x40, s24, s9, $0xb8;
	[tilespmem:$0x16400] =	vst v63  }
0x25: {  	_ =	swait.ge [sflag:s26], $0x2000  }
0x26: {  	[sflag:s26] =	ssyncset.done $0x0  }
0x27: {  	[sflag:s26] =	ssyncadd.s32 $0xFFFFE000  }
0x28: {  	_ =	swait.ge [sflag:s26], $0x2000  }
0x29: {  	[sflag:s26] =	ssyncset.done $0x0  }
0x2a: {  	[sflag:s26] =	ssyncadd.s32 $0xFFFFE000  }
0x2b: {  	_ =	swait.ge [sflag:s26], $0x2000  }
0x2c: {  	[sflag:s26] =	ssyncset.done $0x0  }
0x2d: {  	[sflag:s26] =	ssyncadd.s32 $0xFFFFE000  }
0x2e: {  	_ =	swait.ge [sflag:s26], $0x2000  }
0x2f: {  	[sflag:s26] =	ssyncset.done $0x0  }
0x30: {  	[sflag:s26] =	ssyncadd.s32 $0xFFFFE000  }
0x31: {  	[hbm4b:s8+s28] =	stream.strided.scatter [tilespmem:s12], [sflag:$0x3], $0x8000, s29, s28, $0x38;
	[tilespmem:$0x16400] =	vst v63  }
0x32: {  	_ =	swait.ge [sflag:s30], $0x2000  }
0x33: {  	[sflag:s30] =	ssyncset.done $0x0  }
0x34: {  	[sflag:s30] =	ssyncadd.s32 $0xFFFFE000  }
0x35: {  	_ =	swait.ge [sflag:s30], $0x2000  }
0x36: {  	[sflag:s30] =	ssyncset.done $0x0  }
0x37: {  	[sflag:s30] =	ssyncadd.s32 $0xFFFFE000  }
0x38: {  	_ =	swait.ge [sflag:s30], $0x2000  }
0x39: {  	[sflag:s30] =	ssyncset.done $0x0  }
0x3a: {  	[sflag:s30] =	ssyncadd.s32 $0xFFFFE000  }
0x3b: {  	_ =	swait.ge [sflag:s30], $0x2000  }
0x3c: {  	[sflag:s30] =	ssyncset.done $0x0  }
0x3d: {  	s16 =	sadd.s32 $0x20000, s8;
	[sflag:s30] =	ssyncadd.s32 $0xFFFFE000  }
0x3e: {  	[hbm4b:s16+s28] =	stream.strided.scatter [tilespmem:s19], [sflag:$0x4], $0x8000, s29, s28, $0x38;
	[tilespmem:$0x16400] =	vst v63  }
0x3f: {  	_ =	swait.ge [sflag:s31], $0x8000  }
0x40: {  	[sflag:s31] =	ssyncset.done $0x0  }
0x41: {  	s18 =	simm.s32 $0x400;
	[sflag:s31] =	ssyncadd.s32 $0xFFFF8000  }
0x42: {  	[tilespmem:s12], [sflag:$0x1] =	stream.indirect.gather [hbm4b:s3+s9], $0x40, s18, s9, $0xb8;
	[tilespmem:$0x16400] =	vst v63  }
0x43: {  	s14 =	simm.s32 $0x480  }
0x44: {  	[tilespmem:s13], [sflag:$0x1] =	stream.indirect.gather [hbm4b:s3+s9], $0x40, s14, s9, $0xb8;
	[tilespmem:$0x16400] =	vst v63  }
0x45: {  	s16 =	simm.s32 $0x500  }
0x46: {  	[tilespmem:s15], [sflag:$0x1] =	stream.indirect.gather [hbm4b:s3+s9], $0x40, s16, s9, $0xb8;
	[tilespmem:$0x16400] =	vst v63  }
0x47: {  	s18 =	simm.s32 $0x580  }
0x48: {  	[tilespmem:s17], [sflag:$0x1] =	stream.indirect.gather [hbm4b:s3+s9], $0x40, s18, s9, $0xb8;
	[tilespmem:$0x16400] =	vst v63  }
0x49: {  	_ =	swait.ge [sflag:s1], $0x8000  }
0x4a: {  	[sflag:s1] =	ssyncset.done $0x0  }
0x4b: {  	s14 =	simm.s32 $0x600;
	[sflag:s1] =	ssyncadd.s32 $0xFFFF8000  }
0x4c: {  	[tilespmem:s19], [sflag:$0x2] =	stream.indirect.gather [hbm4b:s3+s9], $0x40, s14, s9, $0xb8;
	[tilespmem:$0x16400] =	vst v63  }
0x4d: {  	s10 =	simm.s32 $0x1000;
	s16 =	simm.s32 $0x680  }
0x4e: {  	[tilespmem:s21], [sflag:$0x2] =	stream.indirect.gather [hbm4b:s3+s9], $0x40, s16, s9, $0xb8;
	[tilespmem:$0x16400] =	vst v63  }
0x4f: {  	s18 =	simm.s32 $0x700;
	s14 =	sadd.s32 $0x40000, s8;
	s16 =	simm.s32 $0x780  }
0x50: {  	[tilespmem:s23], [sflag:$0x2] =	stream.indirect.gather [hbm4b:s3+s9], $0x40, s18, s9, $0xb8;
	[tilespmem:$0x16400] =	vst v63  }
.LBB2_2:
0x51: {  	[tilespmem:s25], [sflag:$0x2] =	stream.indirect.gather [hbm4b:s3+s9], $0x40, s16, s9, $0xb8;
	[tilespmem:$0x16400] =	vst v63  }
0x52: {  	s16 =	smov.u32 s10  }
0x53: {  	p0 =	sne.s32 s10, $0x17000;
	s10 =	sadd.s32 $0x1000, s10;
	_ =	swait.ge [sflag:s26], $0x2000  }
0x54: {  	[sflag:s26] =	ssyncset.done $0x0  }
0x55: {  	[sflag:s26] =	ssyncadd.s32 $0xFFFFE000  }
0x56: {  	_ =	swait.ge [sflag:s26], $0x2000  }
0x57: {  	[sflag:s26] =	ssyncset.done $0x0  }
0x58: {  	[sflag:s26] =	ssyncadd.s32 $0xFFFFE000  }
0x59: {  	_ =	swait.ge [sflag:s26], $0x2000  }
0x5a: {  	[sflag:s26] =	ssyncset.done $0x0  }
0x5b: {  	[sflag:s26] =	ssyncadd.s32 $0xFFFFE000  }
0x5c: {  	_ =	swait.ge [sflag:s26], $0x2000  }
0x5d: {  	[sflag:s26] =	ssyncset.done $0x0  }
0x5e: {  	[sflag:s26] =	ssyncadd.s32 $0xFFFFE000  }
0x5f: {  	[hbm4b:s14+s28] =	stream.strided.scatter [tilespmem:s12], [sflag:$0x3], $0x8000, s29, s28, $0x38;
	[tilespmem:$0x16400] =	vst v63  }
0x60: {  	_ =	swait.ge [sflag:s30], $0x2000  }
0x61: {  	[sflag:s30] =	ssyncset.done $0x0  }
0x62: {  	[sflag:s30] =	ssyncadd.s32 $0xFFFFE000  }
0x63: {  	_ =	swait.ge [sflag:s30], $0x2000  }
0x64: {  	[sflag:s30] =	ssyncset.done $0x0  }
0x65: {  	[sflag:s30] =	ssyncadd.s32 $0xFFFFE000  }
0x66: {  	_ =	swait.ge [sflag:s30], $0x2000  }
0x67: {  	[sflag:s30] =	ssyncset.done $0x0  }
0x68: {  	[sflag:s30] =	ssyncadd.s32 $0xFFFFE000  }
0x69: {  	_ =	swait.ge [sflag:s30], $0x2000  }
0x6a: {  	[sflag:s30] =	ssyncset.done $0x0  }
0x6b: {  	s18 =	sadd.s32 $0x20000, s14;
	[sflag:s30] =	ssyncadd.s32 $0xFFFFE000  }
0x6c: {  	[hbm4b:s18+s28] =	stream.strided.scatter [tilespmem:s19], [sflag:$0x4], $0x8000, s29, s28, $0x38;
	[tilespmem:$0x16400] =	vst v63  }
0x6d: {  	_ =	swait.ge [sflag:s31], $0x8000  }
0x6e: {  	s16 =	sshra.s32 s16, $0x2;
	[sflag:s31] =	ssyncset.done $0x0  }
0x6f: {  	s18 =	sadd.s32 $0x400, s16;
	[sflag:s31] =	ssyncadd.s32 $0xFFFF8000  }
0x70: {  	[tilespmem:s12], [sflag:$0x1] =	stream.indirect.gather [hbm4b:s3+s9], $0x40, s18, s9, $0xb8;
	[tilespmem:$0x16400] =	vst v63  }
0x71: {  	s18 =	sadd.s32 $0x480, s16  }
0x72: {  	[tilespmem:s13], [sflag:$0x1] =	stream.indirect.gather [hbm4b:s3+s9], $0x40, s18, s9, $0xb8;
	[tilespmem:$0x16400] =	vst v63  }
0x73: {  	s18 =	sadd.s32 $0x500, s16  }
0x74: {  	[tilespmem:s15], [sflag:$0x1] =	stream.indirect.gather [hbm4b:s3+s9], $0x40, s18, s9, $0xb8;
	[tilespmem:$0x16400] =	vst v63  }
0x75: {  	s18 =	sadd.s32 $0x580, s16  }
0x76: {  	[tilespmem:s17], [sflag:$0x1] =	stream.indirect.gather [hbm4b:s3+s9], $0x40, s18, s9, $0xb8;
	[tilespmem:$0x16400] =	vst v63  }
0x77: {  	_ =	swait.ge [sflag:s1], $0x8000  }
0x78: {  	[sflag:s1] =	ssyncset.done $0x0  }
0x79: {  	s18 =	sadd.s32 $0x600, s16;
	[sflag:s1] =	ssyncadd.s32 $0xFFFF8000  }
0x7a: {  	[tilespmem:s19], [sflag:$0x2] =	stream.indirect.gather [hbm4b:s3+s9], $0x40, s18, s9, $0xb8;
	[tilespmem:$0x16400] =	vst v63  }
.Ltmp0:
0x7b: {  	s18 =	sadd.s32 $0x680, s16;
	(pc) =	sbr.rel @p0 .LBB2_2-.Ltmp0, $4  }
0x7c: {  	[tilespmem:s21], [sflag:$0x2] =	stream.indirect.gather [hbm4b:s3+s9], $0x40, s18, s9, $0xb8;
	[tilespmem:$0x16400] =	vst v63  }
0x7d: {  	s18 =	sadd.s32 $0x700, s16  }
0x7e: {  	[tilespmem:s23], [sflag:$0x2] =	stream.indirect.gather [hbm4b:s3+s9], $0x40, s18, s9, $0xb8;
	[tilespmem:$0x16400] =	vst v63  }
0x7f: {  	s14 =	sadd.s32 $0x40000, s14;
	s16 =	sadd.s32 $0x780, s16  }
0x80: {  	[tilespmem:s25], [sflag:$0x2] =	stream.indirect.gather [hbm4b:s3+s9], $0x40, s16, s9, $0xb8;
	[tilespmem:$0x16400] =	vst v63  }
0x81: {  	_ =	swait.ge [sflag:s26], $0x2000  }
0x82: {  	[sflag:s26] =	ssyncset.done $0x0  }
0x83: {  	[sflag:s26] =	ssyncadd.s32 $0xFFFFE000  }
0x84: {  	_ =	swait.ge [sflag:s26], $0x2000  }
0x85: {  	[sflag:s26] =	ssyncset.done $0x0  }
0x86: {  	[sflag:s26] =	ssyncadd.s32 $0xFFFFE000  }
0x87: {  	_ =	swait.ge [sflag:s26], $0x2000  }
0x88: {  	[sflag:s26] =	ssyncset.done $0x0  }
0x89: {  	[sflag:s26] =	ssyncadd.s32 $0xFFFFE000  }
0x8a: {  	_ =	swait.ge [sflag:s26], $0x2000  }
0x8b: {  	[sflag:s26] =	ssyncset.done $0x0  }
0x8c: {  	[sflag:s26] =	ssyncadd.s32 $0xFFFFE000  }
0x8d: {  	[hbm4b:s5+s28] =	stream.strided.scatter [tilespmem:s12], [sflag:$0x3], $0x8000, s29, s28, $0x38;
	[tilespmem:$0x16400] =	vst v63  }
0x8e: {  	_ =	swait.ge [sflag:s30], $0x2000  }
0x8f: {  	[sflag:s30] =	ssyncset.done $0x0  }
0x90: {  	[sflag:s30] =	ssyncadd.s32 $0xFFFFE000  }
0x91: {  	_ =	swait.ge [sflag:s30], $0x2000  }
0x92: {  	[sflag:s30] =	ssyncset.done $0x0  }
0x93: {  	[sflag:s30] =	ssyncadd.s32 $0xFFFFE000  }
0x94: {  	_ =	swait.ge [sflag:s30], $0x2000  }
0x95: {  	[sflag:s30] =	ssyncset.done $0x0  }
0x96: {  	[sflag:s30] =	ssyncadd.s32 $0xFFFFE000  }
0x97: {  	_ =	swait.ge [sflag:s30], $0x2000  }
0x98: {  	[sflag:s30] =	ssyncset.done $0x0  }
0x99: {  	s0 =	sadd.s32 $0x1, s0;
	[sflag:s30] =	ssyncadd.s32 $0xFFFFE000  }
0x9a: {  	[hbm4b:s6+s28] =	stream.strided.scatter [tilespmem:s19], [sflag:$0x4], $0x8000, s29, s28, $0x38;
	[tilespmem:$0x16400] =	vst v63  }
0x9b: {  	p0 =	sne.s32 s0, s7;
	_ =	swait.ge [sflag:s31], $0x8000  }
.Ltmp1:
0x9c: {  	[sflag:s31] =	ssyncset.done $0x0;
	(pc) =	sbr.rel @p0 .LBB2_1-.Ltmp1, $4  }
0x9d: {  	[sflag:s31] =	ssyncadd.s32 $0xFFFF8000  }
0x9e: {  	_ =	swait.ge [sflag:s1], $0x8000  }
0x9f: {  	[sflag:s1] =	ssyncset.done $0x0  }
0xa0: {  	[sflag:s1] =	ssyncadd.s32 $0xFFFF8000  }
0xa1: {  	_ =	sfence.sel $0x180000  }
0xa2: {  	[bflag:$0x0] =	sbarrier.arrive $0xFFFF  }
0xa3: {  	_ =	strace $0x90000047  }
0xa4: {  	s0 =	stileid.u32;
	[bflag:$0x2] =	sbarrier.arrive $0xFFFF  }
0xa5: {  	p0 =	sne.s32 s0, $0x0;
	s0 =	rddreg [dreg:$0x2]  }
0xa6: {  	s0 =	sadd.s32 @!p0 $0x100000, s0  }
0xa7: {  	[sflag:s0] =	ssyncadd.tile.s32 @!p0 $0x1;
	_ =	shalt  }
.Lfunc_end2:
_tile_overlayer_lowered:
.L_overlay_start_2:
0xa8: {  	(tag) =	ssettag $0x2  }
0xa9: {  	s0 =	rddreg [dreg:$0x0];
	s2 =	stileid.u32  }
0xaa: {  	s1 =	rddreg [dreg:$0x1];
	p0 =	sne.s32 s2, $0x0  }
0xab: {  	s3 =	rddreg [dreg:$0x2];
	[bflag:$0x3] =	sbarrier.arrive $0xFFFF;
	s2 =	simm.s32 @!p0 $0x1C05  }
0xac: {  	[timem:s3], [sflag:s2] =	dma.local @!p0 [hbm:s0], s1  }
0xad: {  	s0 =	simm.s32 @!p0 $0x5  }
0xae: {  	_ =	swait.ge @!p0 [sflag:s0], s1  }
0xaf: {  	s1 =	ssub.s32 @!p0 $0x0, s1;
	[sflag:s0] =	ssyncset.done @!p0 $0x0  }
0xb0: {  	[sflag:s0] =	ssyncadd.s32 @!p0 s1  }
0xb1: {  	[bflag:$0x3] =	sbarrier.arrive $0xFFFF  }
0xb2: {  	_ =	shalt  }

// kernel: sparse-core-data-format-call.cloned.1.call-start
scs
called_computation_lowered:
.L_overlay_start_0:
0x0: {  	s2 =	sld [smem:$0x3FD9]  }
0x1: {  	s3 =	sld [smem:$0x3FFE];
	_ =	sdelay $0x1  }
0x2: {  	s1 =	srdreg.scid  }
0x3: {  	s0 =	sand.u32 $0x1, s1  }
0x4: {  	s18 =	sshll.u32 s0, $0xA;
	s2 =	sadd.s32 s3, s2  }
0x5: {  	s2 =	sadd.s32 s2, s18  }
0x6: {  	[smem:$0x3FC6] =	sst s2  }
0x7: {  	_ = 	snop  }
0x8: {  	s2 =	sld [smem:$0x3FD0];
	(tm) =	ssettm $0x1  }
0x9: {  	s19 =	sld [smem:$0x3FFB];
	_ =	sdelay $0x3  }
0xa: {  	_ =	strace s19  }
0xb: {  	s3 =	sld [smem:$0x3FFC];
	_ =	sdelay $0x3  }
0xc: {  	_ =	strace s3  }
0xd: {  	s3 =	sld [smem:$0x3FFD];
	_ =	sdelay $0x3  }
0xe: {  	_ =	strace s3  }
0xf: {  	_ =	strace $0x8FFFFFFF  }
0x10: {  	s20 =	sld [smem:$0x3FDB];
	_ =	sdelay $0x1  }
0x11: {  	s4 =	simm.s32 $_scs_section_size  }
0x12: {  	s5 =	simm.s32 $_size__tile_overlayer_lowered;
	s6 =	simm.s32 $_tile_overlayer_lowered  }
0x13: {  	s23 =	simm.s32 $0x1BFF;
	s22 =	sshll.u32 s6, $0x1;
	s3 =	sadd.s32 s4, s20  }
0x14: {  	s7 =	simm.s32 $0x0;
	s21 =	sshll.u32 s5, $0x1;
	s5 =	sadd.s32 s22, s3  }
0x15: {  	[timem:s7], [sflag:s23] =	dma.local [hbm:s5], s21  }
0x16: {  	_ =	swait.ge [sflag:s23], s21  }
0x17: {  	s4 =	ssub.s32 $0x0, s21;
	[sflag:s23] =	ssyncset.done $0x0  }
0x18: {  	[sflag:s23] =	ssyncadd.s32 s4;
	_ =	sdelay $0x1  }
0x19: {  	s24 =	simm.s32 $0x1B8B  }
0x1a: {  	_ =	swait.ge [sflag:s24], $0x1  }
0x1b: {  	[sflag:s24] =	ssyncset.done $0x0  }
0x1c: {  	s26 =	simm.s32 $0x1B8E;
	s25 =	sld [smem:$0x3FFE];
	[sflag:s24] =	ssyncadd.s32 $0xFFFFFFFF  }
0x1d: {  	s27 =	simm.s32 $execute0_lowered;
	[smem:$0x3FD2] =	sst s26  }
0x1e: {  	s5 =	sshll.u32 s27, $0x1;
	_ =	strace $0x80000049;
	[dreg:$0x1] =	wrdreg $0xFFFFFFFF  }
0x1f: {  	s28 =	simm.s32 $_size_execute0_lowered;
	s3 =	sadd.s32 s3, s5;
	[dreg:$0x0] =	wrdreg $0x0  }
0x20: {  	s5 =	sshll.u32 s28, $0x1;
	[dreg:$0x2] =	wrdreg s3  }
0x21: {  	[dreg:$0x3] =	wrdreg s5  }
0x22: {  	[dreg:$0x4] =	wrdreg $0xC0  }
0x23: {  	_ =	task [dreg:s7], $0x5FFFF  }
0x24: {  	[dreg:$0x1] =	wrdreg $0xFFFFFFFF  }
0x25: {  	[dreg:$0x0] =	wrdreg $0x60  }
0x26: {  	[dreg:$0x2] =	wrdreg s25  }
0x27: {  	[dreg:$0x3] =	wrdreg s2  }
0x28: {  	[dreg:$0x4] =	wrdreg $0x9  }
0x29: {  	_ =	task.clear_ibuf [dreg:s7], $0x5FFFF;
	_ =	strace $0x90000049  }
0x2a: {  	s29 =	simm.s32 $0x9;
	_ =	strace $0x8000004B  }
0x2b: {  	_ =	swait.ge [sflag:s29], $0x1  }
0x2c: {  	[sflag:s29] =	ssyncadd.s32 $0xFFFFFFFF  }
0x2d: {  	_ =	strace $0x9000004B  }
0x2e: {  	_ =	sfence  }
0x2f: {  	s30 =	sld [smem:$0x0];
	_ =	sdelay $0x2  }
0x30: {  	s31 =	sshll.u32 s1, $0xD;
	s1 =	sshrl.u32 s1, $0x2  }
0x31: {  	s3 =	sand.u32 $0x4000, s31;
	s1 =	sadd.s32 s1, s30  }
0x32: {  	s0 =	sor.u32 s3, s0;
	s1 =	sshll.u32 s1, $0x11  }
0x33: {  	s0 =	sor.u32 s1, s0  }
0x34: {  	s0 =	sadd.s32 $0x8F2B, s0  }
0x35: {  	[sflag:s0] =	ssyncadd.remote.s32 $0x1  }
0x36: {  	_ =	sfence.sel $0xFFFF  }
0x37: {  	[dreg:$0x0] =	wrdreg $0xFFFFFFFF;
	(pc) =	sbr.abs _section_cstart, $3  }
0x38: {  	[dreg:$0x1] =	wrdreg $0xFFFFFFFF  }
0x39: {  	_ =	task.clear_ibuf [dreg:s7], $0x2FFFF;
	_ =	strace $0x9FFFFFFF  }
0x3a: {  	(tm) =	ssettm $0x7FFFFFFF  }
0x3b: {  	_ =	shalt  }
tec
execute0_lowered:
.L_overlay_start_1:
0x0: {  	(tag) =	ssettag $0x1  }
0x1: {  	s0 =	srdreg.scid  }
0x2: {  	s1 =	sshll.u32 s0, $0x4  }
0x3: {  	s5 =	rddreg [dreg:$0x0];
	s0 =	stileid.u32;
	s1 =	sand.u32 $0x10, s1  }
0x4: {  	s3 =	rddreg [dreg:$0x1];
	s31 =	simm.s32 $0x2;
	s4 =	sor.u32 s0, s1  }
0x5: {  	s13 =	simm.s32 $0x0;
	s9 =	simm.s32 $0x400;
	s2 =	sshll.u32 s4, $0x7  }
0x6: {  	s10 =	simm.s32 $0x8000;
	s14 =	simm.s32 $0x0;
	s6 =	ssub.s32 $0x1000, s2  }
0x7: {  	s1 =	rddreg [dreg:$0x2];
	_ =	strace $0x8000004A;
	s7 =	sand.u32 $0xF80, s6  }
0x8: {  	s4 =	sshll.u32 s4, $0xB;
	p0 =	sne.s32 s7, $0x0;
	s7 =	simm.s32 $0x1  }
.Ltmp0:
0x9: {  	s6 =	sshrl.u32 s6, $0xC;
	s7 =	simm.s32 @!p0 $0x0;
	(pc) =	sbr.rel .LBB1_1-.Ltmp0, $4  }
0xa: {  	s8 =	sadd.s32 s4, s5;
	s4 =	simm.s32 $0x1;
	s30 =	sadd.s32 s7, s6  }
0xb: {  	s11 =	simm.s32 $0x0;
	[sflag:s4] =	ssyncpa.u1 $0x0;
	s5 =	smul.u32 $0x64, s30  }
0xc: {  	s12 =	simm.s32 $0x0;
	[sflag:s31] =	ssyncpa.u1 $0x0;
	p0 =	por $0x0, $0x0  }
0xd: {  	s6 =	sadd.s32 $0xA00, s8;
	s7 =	sadd.s32 $0x10A00, s8;
	s8 =	sor.u32 $0x1, s5  }
.LBB1_7:
0xe: {  	s15 =	sadd.s32 $0x2, s11  }
0xf: {  	p2 =	sgt.s32 s15, $0xC7  }
0x10: {  	s15 =	simm.s32 @p2 $0x0;
	p2 =	sne.s32 s12, s8  }
.Ltmp1:
0x11: {  	p1 =	slt.u32 s12, $0x2;
	(pc) =	sbr.rel @!p2 .LBB1_8-.Ltmp1, $4  }
0x12: {  	s13 =	simm.s32 @!p1 $0x2  }
0x13: {  	s16 =	sadd.s32 $0x1, s12;
	s14 =	smov.u32 s11;
	_ =	swait.ge @!p1 [sflag:s13], $0x4000  }
0x14: {  	p0 =	por !p0, !p0;
	s12 =	smov.u32 s16;
	[sflag:s13] =	ssyncset.done @!p1 $0x0  }
0x15: {  	s11 =	smov.u32 s15;
	[sflag:s13] =	ssyncadd.s32 @!p1 $0xFFFFC000;
	s13 =	smov.u32 s2  }
.LBB1_1:
0x16: {  	p1 =	sge.u32 s12, s5  }
0x17: {  	s15 =	sxor.u32 @!p1 $0xFFFFFFFF, s12  }
0x18: {  	s16 =	sshll.u32 @!p1 s11, $0x10;
	s18 =	simm.s32 @!p1 $0x40;
	s15 =	sshll.u32 @!p1 s15, $0xE  }
0x19: {  	s19 =	simm.s32 @!p1 $0x80;
	s17 =	sadd.s32 @!p1 s16, s6;
	s15 =	sand.u32 @!p1 $0x4000, s15  }
0x1a: {  	[tilespmem:s15], [sflag:$0x1] =	stream.strided.gather @!p1 [hbm4b:s17+s18], $0x2000, s19, s18, $0x38;
	[tilespmem:$0x10100] =	vst v63  }
0x1b: {  	s31 =	sadd.s32 $0xFFFFFFFF, s12;
	s16 =	sadd.s32 @!p1 s16, s7;
	s15 =	sor.u32 @!p1 $0x2000, s15  }
0x1c: {  	[tilespmem:s15], [sflag:$0x1] =	stream.strided.gather @!p1 [hbm4b:s16+s18], $0x2000, s19, s18, $0x38;
	[tilespmem:$0x10100] =	vst v63  }
0x1d: {  	p1 =	sge.u32 s31, s5  }
.Ltmp2:
0x1e: {  	_ = 	snop;
	(pc) =	sbr.rel @p1 .LBB1_7-.Ltmp2, $1  }
0x1f: {  	_ =	sdelay $0x3  }
0x20: {  	s15 =	simm.s32 $0x1;
	s17 =	sand.u32 $0x1, s12  }
0x21: {  	_ =	swait.ge [sflag:s4], $0x4000;
	s15 =	simm.s32 @!p0 $0x0;
	s17 =	smul.u32 $0x10200, s17  }
0x22: {  	p2 =	por $0x1, $0x1;
	[sflag:s4] =	ssyncset.done $0x0;
	s16 =	smul.u32 $0x10200, s15  }
0x23: {  	s18 =	sshll.u32 s15, $0x10;
	[sflag:s4] =	ssyncadd.s32 $0xFFFFC000;
	s30 =	sshrl.u32 s17, $0x2  }
0x24: {  	s31 =	sshrl.u32 s18, $0x2;
	s18 =	simm.s32 $0x0;
	s16 =	sshrl.u32 s16, $0x2  }
0x25: {  	s15 =	sor.u32 $0x8000, s30;
	s17 =	sadd.s32 $0x20, s31;
	s16 =	sor.u32 $0x8000, s16  }
.LBB1_3:
0x26: {  	s19 =	sshll.u32 s18, $0xD  }
0x27: {  	s19 =	sand.u32 $0x3FFFE000, s19  }
0x28: {  	s21 =	sadd.s32 s19, s17  }
0x29: {  	s31 =	smul.u32 $0x8100, s18;
	v3 =	vld [tilespmem:s21+$0x10]  }
0x2a: {  	v1 =	vld [tilespmem:s21+$0xFFFFFFF0]  }
0x2b: {  	s18 =	sshra.s32 s31, $0x2;
	v0 =	vld [tilespmem:s21+$0x0]  }
0x2c: {  	s18 =	sadd.s32 s18, s16;
	v2 =	vld [tilespmem:s21+$0xFFFFFFE0]  }
0x2d: {  	s19 =	sadd.s32 $0x0, s18  }
0x2e: {  	p1 =	por p2, p2;
	s20 =	simm.s32 $0x4;
	s21 =	sadd.s32 $0x40, s21;
	[tilespmem:s19+$0x1830 ss:$0x81] =	vst.msk $0xffff, v3  }
.LBB1_4:
0x2f: {  	v3 =	vld [tilespmem:s21+$0x10];
	p2 =	sne.s32 s20, $0x1FC;
	[tilespmem:s19+$0x810 ss:$0x81] =	vst.msk $0xffff, v1;
	s22 =	smov.u32 s20;
	s20 =	sadd.s32 $0x4, s20  }
.Ltmp3:
0x30: {  	v1 =	vld [tilespmem:s21+$0xFFFFFFF0];
	[tilespmem:s19+$0x1020 ss:$0x81] =	vst.msk $0xffff, v0;
	(pc) =	sbr.rel @p2 .LBB1_4-.Ltmp3, $4  }
0x31: {  	v0 =	vld [tilespmem:s21+$0x0];
	[tilespmem:s19+$0x0 ss:$0x81] =	vst.msk $0xffff, v2  }
0x32: {  	s19 =	sshra.s32 s22, $0x2;
	v2 =	vld [tilespmem:s21+$0xFFFFFFE0]  }
0x33: {  	s19 =	sadd.s32 s19, s18  }
0x34: {  	s21 =	sadd.s32 $0x40, s21;
	[tilespmem:s19+$0x1830 ss:$0x81] =	vst.msk $0xffff, v3  }
.Ltmp4:
0x35: {  	(pc) =	sbr.rel @p1 .LBB1_3-.Ltmp4, $4  }
0x36: {  	_ = 	snop  }
0x37: {  	[tilespmem:s19+$0x810 ss:$0x81] =	vst.msk $0xffff, v1  }
0x38: {  	[tilespmem:s19+$0x1020 ss:$0x81] =	vst.msk $0xffff, v0  }
0x39: {  	s18 =	simm.s32 $0x1;
	p2 =	por $0x0, $0x0;
	[tilespmem:s19+$0x0 ss:$0x81] =	vst.msk $0xffff, v2  }
.Ltmp5:
0x3a: {  	(pc) =	sbr.rel .LBB1_7-.Ltmp5, $4  }
0x3b: {  	s14 =	sshll.u32 s14, $0xF  }
0x3c: {  	s14 =	sadd.s32 s3, s14  }
0x3d: {  	s13 =	sadd.s32 s13, s14  }
0x3e: {  	[hbm4b:s13+s9] =	stream.strided.scatter [tilespmem:s15], [sflag:$0x2], $0x4000, s10, s9, $0x20;
	[tilespmem:$0x10100] =	vst v63  }
.LBB1_8:
0x3f: {  	_ =	sfence.sel $0x180000  }
0x40: {  	s2 =	simm.s32 $0x1;
	[bflag:$0x0] =	sbarrier.arrive $0xFFFF  }
0x41: {  	s31 =	simm.s32 $0x2;
	[sflag:s2] =	ssyncpa.u1 $0x1  }
0x42: {  	[sflag:s31] =	ssyncpa.u1 $0x1  }
0x43: {  	p0 =	sne.s32 s0, $0x0;
	_ =	strace $0x9000004A  }
0x44: {  	s0 =	sadd.s32 @!p0 $0x100000, s1;
	[bflag:$0x2] =	sbarrier.arrive $0xFFFF  }
0x45: {  	[sflag:s0] =	ssyncadd.tile.s32 @!p0 $0x1;
	_ =	shalt  }
.Lfunc_end1:
_tile_overlayer_lowered:
.L_overlay_start_2:
0x46: {  	(tag) =	ssettag $0x2  }
0x47: {  	s0 =	rddreg [dreg:$0x0];
	s2 =	stileid.u32  }
0x48: {  	s1 =	rddreg [dreg:$0x1];
	p0 =	sne.s32 s2, $0x0  }
0x49: {  	s3 =	rddreg [dreg:$0x2];
	[bflag:$0x3] =	sbarrier.arrive $0xFFFF;
	s2 =	simm.s32 @!p0 $0x1C01  }
0x4a: {  	[timem:s3], [sflag:s2] =	dma.local @!p0 [hbm:s0], s1  }
0x4b: {  	s0 =	simm.s32 @!p0 $0x1  }
0x4c: {  	_ =	swait.ge @!p0 [sflag:s0], s1  }
0x4d: {  	s1 =	ssub.s32 @!p0 $0x0, s1;
	[sflag:s0] =	ssyncset.done @!p0 $0x0  }
0x4e: {  	[sflag:s0] =	ssyncadd.s32 @!p0 s1  }
0x4f: {  	[bflag:$0x3] =	sbarrier.arrive $0xFFFF  }
0x50: {  	_ =	shalt  }

</sc_bundles>
